<compile_context>
chip_gen: v7x
topology: tpu7x:2x2x1
jax: 0.10.2.dev20260603
libtpu: 0.0.44.dev20260713+nightly
codegen_flags: <defaults>
</compile_context>

<pallas_src>
import functools

import jax
import jax.numpy as jnp
from jax import lax
from jax.experimental import pallas as pl
from jax.experimental.pallas import tpu as pltpu
from jax.experimental.pallas import tpu_sc as plsc

_K = 2
_BM = 128
_BMP = 512
_CH = 8
_WREP = 128


def _routing_body(nb, lg_ref, bexp_ref, pos_ref, w_ref):
    T, E = lg_ref.shape
    lg = lg_ref[...]
    m = jnp.max(lg, axis=1, keepdims=True)
    ex = jnp.exp(lg - m)
    p = ex / jnp.sum(ex, axis=1, keepdims=True)
    lane = jax.lax.broadcasted_iota(jnp.int32, p.shape, 1)

    w1v = jnp.max(p, axis=1, keepdims=True)
    i1 = jnp.min(jnp.where(p == w1v, lane, E), axis=1, keepdims=True)
    pm = jnp.where(lane == i1, -1.0, p)
    w2v = jnp.max(pm, axis=1, keepdims=True)
    i2 = jnp.min(jnp.where(pm == w2v, lane, E), axis=1, keepdims=True)

    O0 = (lane == i1).astype(jnp.float32)
    O1 = (lane == i2).astype(jnp.float32)
    O = jnp.concatenate([O0, O1], axis=0)

    counts = jnp.sum(O, axis=0, keepdims=True).astype(jnp.int32)
    pcount = ((counts + (_BMP - 1)) // _BMP) * _BMP
    v = pcount
    sh = 1
    while sh < E:
        v = v + jnp.concatenate(
            [jnp.zeros((1, sh), jnp.int32), v[:, :E - sh]], axis=1)
        sh *= 2
    pe_end = v
    po = (pe_end - pcount).astype(jnp.float32)

    nc = (2 * T) // _BM
    sub = jax.lax.broadcasted_iota(jnp.int32, (_BM, _BM), 0)
    lan2 = jax.lax.broadcasted_iota(jnp.int32, (_BM, _BM), 1)
    ls = (lan2 < sub).astype(jnp.float32)
    carry = jnp.zeros((1, E), jnp.float32)
    for c in range(nc):
        oc = O[c * _BM:(c + 1) * _BM]
        rk = jnp.dot(ls, oc, preferred_element_type=jnp.float32) + carry
        pos_c = jnp.sum((rk + po) * oc, axis=1, keepdims=True)
        pos_ref[c * _BM:(c + 1) * _BM, :] = pos_c.astype(jnp.int32)
        carry = carry + jnp.sum(oc, axis=0, keepdims=True)

    wcat = jnp.concatenate([w1v, w2v], axis=0)
    w_ref[...] = wcat * jnp.ones((1, _WREP), jnp.float32)

    bv = jax.lax.broadcasted_iota(jnp.int32, (nb, 1), 0) * _BMP
    be = jnp.sum((bv >= pe_end).astype(jnp.int32), axis=1, keepdims=True)
    bexp_ref[...] = jnp.minimum(be, E - 1)


def _mlp_body(bexp_sref, ws_ref, xs_ref, W1_ref, b1_ref, W2_ref, b2_ref,
              y_ref):
    h = jnp.dot(xs_ref[...].astype(jnp.bfloat16), W1_ref[0],
                preferred_element_type=jnp.float32) + b1_ref[0]
    h = jax.nn.gelu(h).astype(jnp.bfloat16)
    y = jnp.dot(h, W2_ref[0], preferred_element_type=jnp.float32) + b2_ref[0]
    y_ref[...] = y * ws_ref[:, :1]


def _sc_meshes():
    info = plsc.get_sparse_core_info()
    mesh = plsc.VectorSubcoreMesh(core_axis_name="c", subcore_axis_name="s")
    return info, mesh


def _dispatch_sc(x, idx, wrep, R):
    T, D = x.shape
    J = idx.shape[0]
    info, mesh = _sc_meshes()
    nw = info.num_cores * info.num_subcores
    per_w = J // nw

    @functools.partial(
        pl.kernel,
        out_type=[
            jax.ShapeDtypeStruct((R, D), x.dtype),
            jax.ShapeDtypeStruct((R, _WREP), jnp.float32),
        ],
        mesh=mesh,
        scratch_types=[
            pltpu.VMEM((_CH,), jnp.int32),
            pltpu.VMEM((_CH, D), x.dtype),
            pltpu.VMEM((_CH, _WREP), jnp.float32),
        ],
    )
    def k(x_hbm, idx_hbm, w_hbm, xs_hbm, ws_hbm, idx_v, rows_v, w_v):
        wid = lax.axis_index("s") * info.num_cores + lax.axis_index("c")
        base = wid * per_w

        @pl.loop(0, per_w, step=_CH)
        def _(c):
            b = base + c
            sb = lax.rem(b, T)
            pltpu.sync_copy(idx_hbm.at[pl.ds(b, _CH)], idx_v)
            pltpu.sync_copy(x_hbm.at[pl.ds(sb, _CH)], rows_v)
            pltpu.sync_copy(w_hbm.at[pl.ds(b, _CH)], w_v)
            pltpu.sync_copy(rows_v, xs_hbm.at[idx_v])
            pltpu.sync_copy(w_v, ws_hbm.at[idx_v])

    return k(x, idx, wrep)


def _combine_sc(y, i0, i1):
    R, D = y.shape
    T = i0.shape[0]
    info, mesh = _sc_meshes()
    nw = info.num_cores * info.num_subcores
    nl = info.num_lanes
    per_w = T // nw

    @functools.partial(
        pl.kernel,
        out_type=jax.ShapeDtypeStruct((T, D), jnp.float32),
        mesh=mesh,
        scratch_types=[
            pltpu.VMEM((_CH,), jnp.int32),
            pltpu.VMEM((_CH,), jnp.int32),
            pltpu.VMEM((_CH, D), jnp.float32),
            pltpu.VMEM((_CH, D), jnp.float32),
            pltpu.VMEM((_CH, D), jnp.float32),
            pltpu.SemaphoreType.DMA,
            pltpu.SemaphoreType.DMA,
        ],
    )
    def k(y_hbm, i0_hbm, i1_hbm, o_hbm, i0_v, i1_v, g0_v, g1_v, o_v, s0, s1):
        wid = lax.axis_index("s") * info.num_cores + lax.axis_index("c")
        base = wid * per_w

        @pl.loop(0, per_w, step=_CH)
        def _(c):
            b = base + c
            pltpu.sync_copy(i0_hbm.at[pl.ds(b, _CH)], i0_v)
            pltpu.sync_copy(i1_hbm.at[pl.ds(b, _CH)], i1_v)
            cp0 = pltpu.async_copy(y_hbm.at[i0_v], g0_v, s0)
            cp1 = pltpu.async_copy(y_hbm.at[i1_v], g1_v, s1)
            cp0.wait()
            cp1.wait()
            for r in range(_CH):
                @pl.loop(0, D, step=nl)
                def _(c16):
                    o_v[r, pl.ds(c16, nl)] = (
                        g0_v[r, pl.ds(c16, nl)] + g1_v[r, pl.ds(c16, nl)])
            pltpu.sync_copy(o_v, o_hbm.at[pl.ds(b, _CH)])

    return k(y, i0, i1)


@jax.jit
def kernel(hidden_states, router_logits, W1, b1, W2, b2):
    B_, S_, D_ = hidden_states.shape
    T = B_ * S_
    E_, _, F_ = W1.shape
    NB = (T * _K + E_ * (_BMP - 1) + _BMP - 1) // _BMP
    R = NB * _BMP

    x = hidden_states.reshape(T, D_)
    W1b = W1.astype(jnp.bfloat16)
    W2b = W2.astype(jnp.bfloat16)
    b1r = b1.reshape(E_, 1, F_)
    b2r = b2.reshape(E_, 1, D_)

    bexp, pos, wrep = pl.pallas_call(
        lambda *refs: _routing_body(NB, *refs),
        out_shape=[
            jax.ShapeDtypeStruct((NB, 1), jnp.int32),
            jax.ShapeDtypeStruct((2 * T, 1), jnp.int32),
            jax.ShapeDtypeStruct((2 * T, _WREP), jnp.float32),
        ],
    )(router_logits)

    idx = pos.reshape(2 * T)
    xs, ws = _dispatch_sc(x, idx, wrep, R)

    y = pl.pallas_call(
        _mlp_body,
        grid_spec=pltpu.PrefetchScalarGridSpec(
            num_scalar_prefetch=1,
            grid=(NB,),
            in_specs=[
                pl.BlockSpec((_BMP, _WREP), lambda b, be: (b, 0)),
                pl.BlockSpec((_BMP, D_), lambda b, be: (b, 0)),
                pl.BlockSpec((1, D_, F_), lambda b, be: (be[b], 0, 0)),
                pl.BlockSpec((1, 1, F_), lambda b, be: (be[b], 0, 0)),
                pl.BlockSpec((1, F_, D_), lambda b, be: (be[b], 0, 0)),
                pl.BlockSpec((1, 1, D_), lambda b, be: (be[b], 0, 0)),
            ],
            out_specs=pl.BlockSpec((_BMP, D_), lambda b, be: (b, 0)),
        ),
        out_shape=jax.ShapeDtypeStruct((R, D_), jnp.float32),
        compiler_params=pltpu.CompilerParams(
            dimension_semantics=("arbitrary",)),
    )(bexp.reshape(NB), ws, xs, W1b, b1r, W2b, b2r)

    out = _combine_sc(y, idx[:T], idx[T:])
    return out.reshape(B_, S_, D_)

# --- scband reference (transcript-rebuilt; emitter-appended) ---
"""Pipeline reference for scband-vllm-a2a-sparse-mlp-29824252903641 (READ-ONLY COPY).

The authoritative reference and input builder live on the scoring server;
editing this copy changes nothing except your own understanding.
"""

import jax, jax.numpy as jnp
import numpy as np

E = 16
K = 2
D = 1024
F = 2048
B = 1
S = 2048


def setup_inputs(seed: int = 0) -> dict:
    key = jax.random.key(seed)
    ks = jax.random.split(key, 6)
    hidden_states = jax.random.normal(ks[0], (B, S, D), dtype=jnp.float32)
    router_logits = jax.random.normal(ks[1], (B * S, E), dtype=jnp.float32)
    W1 = jax.random.normal(ks[2], (E, D, F), dtype=jnp.float32) * 0.02
    b1 = jnp.zeros((E, F), dtype=jnp.float32)
    W2 = jax.random.normal(ks[3], (E, F, D), dtype=jnp.float32) * 0.02
    b2 = jnp.zeros((E, D), dtype=jnp.float32)
    return {"hidden_states": hidden_states, "router_logits": router_logits,
            "W1": W1, "b1": b1, "W2": W2, "b2": b2}


def reference(hidden_states, router_logits, W1, b1, W2, b2):
    # VllmA2aSparseMLP.forward with router_logits provided:
    #   router_probs = softmax(router_logits.view(-1, E))
    #   router_scores, router_indices = topk(router_probs, K)
    #   out = experts(hidden_states, router_indices, router_scores)
    B_, S_, D_ = hidden_states.shape
    T = B_ * S_
    num_experts = W1.shape[0]
    probs = jax.nn.softmax(router_logits.reshape(T, -1), axis=-1)
    scores, idx = jax.lax.top_k(probs, K)          # [T, K]
    x = hidden_states.reshape(T, D_)
    out = jnp.zeros((T, D_), dtype=hidden_states.dtype)
    for e in range(num_experts):
        weight = jnp.sum(jnp.where(idx == e, scores, jnp.zeros_like(scores)),
                         axis=-1)                  # routed score or exactly 0
        h = jax.nn.gelu(x @ W1[e] + b1[e])
        ye = (h @ W2[e] + b2[e]) * weight[:, None]
        out = out + ye                              # weighted combine per expert
    return out.reshape(B_, S_, D_)

if __name__ == "__main__":
    import jax
    _d = setup_inputs()
    print(jax.jit(kernel)(*tuple(_d.values())))

</pallas_src>

<mosaic_0001>
#map = affine_map<(d0, d1) -> (0, 0)>
#map1 = affine_map<(d0, d1) -> (0)>
module attributes {stable_mosaic.version = 14 : i64} {
  func.func @k(%arg0: i32, %arg1: i32, %arg2: memref<2048x1024xf32, #tpu.memory_space<hbm>>, %arg3: memref<4096xi32, #tpu.memory_space<hbm>>, %arg4: memref<4096x128xf32, #tpu.memory_space<hbm>>, %arg5: memref<12288x1024xf32, #tpu.memory_space<hbm>>, %arg6: memref<12288x128xf32, #tpu.memory_space<hbm>>, %arg7: memref<8xi32, #tpu.memory_space<vmem>>, %arg8: memref<8x1024xf32, #tpu.memory_space<vmem>>, %arg9: memref<8x128xf32, #tpu.memory_space<vmem>>) attributes {dimension_semantics = [#tpu.dimension_semantics<core_parallel>, #tpu.dimension_semantics<subcore_parallel>], iteration_bounds = array<i64: 2, 16>, scalar_prefetch = 0 : i64, scratch_operands = 3 : i64, tpu.core_type = #tpu.core_type<sc_vector_subcore>, window_params = [{transform_indices = #map}, {transform_indices = #map1}, {transform_indices = #map}, {transform_indices = #map}, {transform_indices = #map}]} {
    %mul3A = arith.constant 2 : i32
    %mul3A_0 = arith.muli %arg1, %mul3A : i32
    %add3A = arith.addi %mul3A_0, %arg0 : i32
    %mul3A_1 = arith.constant 128 : i32
    %mul3A_2 = arith.muli %add3A, %mul3A_1 : i32
    %scan3A = arith.constant 0 : i32
    %scan3A_3 = arith.constant 16 : i32
    %scan3A_4 = arith.addi %scan3A, %scan3A_3 : i32
    %scan3A_5 = arith.constant 1 : i32
    scf.for %scan3A_7 = %scan3A to %scan3A_4 step %scan3A_5  : i32 {
      %mul3A_8 = arith.constant 8 : i32
      %mul3A_9 = arith.muli %scan3A_7, %mul3A_8 : i32
      %add3A_10 = arith.constant 0 : i32
      %add3A_11 = arith.addi %add3A_10, %mul3A_9 : i32
      %add3A_12 = arith.addi %mul3A_2, %add3A_11 : i32
      %rem3A = arith.constant 2048 : i32
      %rem3A_13 = arith.remsi %add3A_12, %rem3A : i32
      "tpu.region"() ({
        %run_scoped3A = tpu.sem_alloc : memref<!tpu.dma_semaphore, #tpu.memory_space<semaphore_mem>>
        %dma_start3A = tpu.memref_slice %arg3[%add3A_12] : memref<4096xi32, #tpu.memory_space<hbm>> -> memref<8xi32, #tpu.memory_space<hbm>>
        %dma_start3A_14 = tpu.memref_slice %arg3[%add3A_12] : memref<4096xi32, #tpu.memory_space<hbm>> -> memref<8xi32, #tpu.memory_space<hbm>>
        tpu.enqueue_dma source(%dma_start3A_14 : memref<8xi32, #tpu.memory_space<hbm>>) target(%arg7 : memref<8xi32, #tpu.memory_space<vmem>>) target_semaphore(%run_scoped3A : memref<!tpu.dma_semaphore, #tpu.memory_space<semaphore_mem>>)
        %dma_wait3A = tpu.memref_slice %arg3[%add3A_12] : memref<4096xi32, #tpu.memory_space<hbm>> -> memref<8xi32, #tpu.memory_space<hbm>>
        %dma_wait3A_15 = tpu.memref_slice %arg3[%add3A_12] : memref<4096xi32, #tpu.memory_space<hbm>> -> memref<8xi32, #tpu.memory_space<hbm>>
        tpu.wait_dma2 semaphore(%run_scoped3A : memref<!tpu.dma_semaphore, #tpu.memory_space<semaphore_mem>>) src(%dma_wait3A_15 : memref<8xi32, #tpu.memory_space<hbm>>) dst(%arg7 : memref<8xi32, #tpu.memory_space<vmem>>)
        tpu.yield
      }) : () -> ()
      "tpu.region"() ({
        %run_scoped3A = tpu.sem_alloc : memref<!tpu.dma_semaphore, #tpu.memory_space<semaphore_mem>>
        %dma_start3A = arith.constant 0 : i32
        %dma_start3A_14 = tpu.memref_slice %arg2[%rem3A_13, %dma_start3A] : memref<2048x1024xf32, #tpu.memory_space<hbm>> -> memref<8x1024xf32, #tpu.memory_space<hbm>>
        %dma_start3A_15 = arith.constant 0 : i32
        %dma_start3A_16 = tpu.memref_slice %arg2[%rem3A_13, %dma_start3A_15] : memref<2048x1024xf32, #tpu.memory_space<hbm>> -> memref<8x1024xf32, #tpu.memory_space<hbm>>
        tpu.enqueue_dma source(%dma_start3A_16 : memref<8x1024xf32, #tpu.memory_space<hbm>>) target(%arg8 : memref<8x1024xf32, #tpu.memory_space<vmem>>) target_semaphore(%run_scoped3A : memref<!tpu.dma_semaphore, #tpu.memory_space<semaphore_mem>>)
        %dma_wait3A = arith.constant 0 : i32
        %dma_wait3A_17 = tpu.memref_slice %arg2[%rem3A_13, %dma_wait3A] : memref<2048x1024xf32, #tpu.memory_space<hbm>> -> memref<8x1024xf32, #tpu.memory_space<hbm>>
        %dma_wait3A_18 = arith.constant 0 : i32
        %dma_wait3A_19 = tpu.memref_slice %arg2[%rem3A_13, %dma_wait3A_18] : memref<2048x1024xf32, #tpu.memory_space<hbm>> -> memref<8x1024xf32, #tpu.memory_space<hbm>>
        tpu.wait_dma2 semaphore(%run_scoped3A : memref<!tpu.dma_semaphore, #tpu.memory_space<semaphore_mem>>) src(%dma_wait3A_19 : memref<8x1024xf32, #tpu.memory_space<hbm>>) dst(%arg8 : memref<8x1024xf32, #tpu.memory_space<vmem>>)
        tpu.yield
      }) : () -> ()
      "tpu.region"() ({
        %run_scoped3A = tpu.sem_alloc : memref<!tpu.dma_semaphore, #tpu.memory_space<semaphore_mem>>
        %dma_start3A = arith.constant 0 : i32
        %dma_start3A_14 = tpu.memref_slice %arg4[%add3A_12, %dma_start3A] : memref<4096x128xf32, #tpu.memory_space<hbm>> -> memref<8x128xf32, #tpu.memory_space<hbm>>
        %dma_start3A_15 = arith.constant 0 : i32
        %dma_start3A_16 = tpu.memref_slice %arg4[%add3A_12, %dma_start3A_15] : memref<4096x128xf32, #tpu.memory_space<hbm>> -> memref<8x128xf32, #tpu.memory_space<hbm>>
        tpu.enqueue_dma source(%dma_start3A_16 : memref<8x128xf32, #tpu.memory_space<hbm>>) target(%arg9 : memref<8x128xf32, #tpu.memory_space<vmem>>) target_semaphore(%run_scoped3A : memref<!tpu.dma_semaphore, #tpu.memory_space<semaphore_mem>>)
        %dma_wait3A = arith.constant 0 : i32
        %dma_wait3A_17 = tpu.memref_slice %arg4[%add3A_12, %dma_wait3A] : memref<4096x128xf32, #tpu.memory_space<hbm>> -> memref<8x128xf32, #tpu.memory_space<hbm>>
        %dma_wait3A_18 = arith.constant 0 : i32
        %dma_wait3A_19 = tpu.memref_slice %arg4[%add3A_12, %dma_wait3A_18] : memref<4096x128xf32, #tpu.memory_space<hbm>> -> memref<8x128xf32, #tpu.memory_space<hbm>>
        tpu.wait_dma2 semaphore(%run_scoped3A : memref<!tpu.dma_semaphore, #tpu.memory_space<semaphore_mem>>) src(%dma_wait3A_19 : memref<8x128xf32, #tpu.memory_space<hbm>>) dst(%arg9 : memref<8x128xf32, #tpu.memory_space<vmem>>)
        tpu.yield
      }) : () -> ()
      "tpu.region"() ({
        %run_scoped3A = tpu.sem_alloc : memref<!tpu.dma_semaphore, #tpu.memory_space<semaphore_mem>>
        %dma_start3A = arith.constant 0 : i32
        %dma_start3A_14 = arith.constant 0 : i32
        %dma_start3A_15 = tpu.memref_slice %arg5[%dma_start3A, %dma_start3A_14] : memref<12288x1024xf32, #tpu.memory_space<hbm>> -> memref<12288x1024xf32, #tpu.memory_space<hbm>>
        tpu.enqueue_indirect_dma source(%arg8 : memref<8x1024xf32, #tpu.memory_space<vmem>>) target(%dma_start3A_15 : memref<12288x1024xf32, #tpu.memory_space<hbm>>) offsets(%arg7 : memref<8xi32, #tpu.memory_space<vmem>>) semaphore(%run_scoped3A : memref<!tpu.dma_semaphore, #tpu.memory_space<semaphore_mem>>)
        %dma_wait3A = arith.constant 0 : i32
        %dma_wait3A_16 = arith.constant 0 : i32
        %dma_wait3A_17 = tpu.memref_slice %arg5[%dma_wait3A, %dma_wait3A_16] : memref<12288x1024xf32, #tpu.memory_space<hbm>> -> memref<12288x1024xf32, #tpu.memory_space<hbm>>
        tpu.wait_indirect_dma semaphore(%run_scoped3A : memref<!tpu.dma_semaphore, #tpu.memory_space<semaphore_mem>>) src(%arg8 : memref<8x1024xf32, #tpu.memory_space<vmem>>) dst(%dma_wait3A_17 : memref<12288x1024xf32, #tpu.memory_space<hbm>>)
        tpu.yield
      }) : () -> ()
      "tpu.region"() ({
        %run_scoped3A = tpu.sem_alloc : memref<!tpu.dma_semaphore, #tpu.memory_space<semaphore_mem>>
        %dma_start3A = arith.constant 0 : i32
        %dma_start3A_14 = arith.constant 0 : i32
        %dma_start3A_15 = tpu.memref_slice %arg6[%dma_start3A, %dma_start3A_14] : memref<12288x128xf32, #tpu.memory_space<hbm>> -> memref<12288x128xf32, #tpu.memory_space<hbm>>
        tpu.enqueue_indirect_dma source(%arg9 : memref<8x128xf32, #tpu.memory_space<vmem>>) target(%dma_start3A_15 : memref<12288x128xf32, #tpu.memory_space<hbm>>) offsets(%arg7 : memref<8xi32, #tpu.memory_space<vmem>>) semaphore(%run_scoped3A : memref<!tpu.dma_semaphore, #tpu.memory_space<semaphore_mem>>)
        %dma_wait3A = arith.constant 0 : i32
        %dma_wait3A_16 = arith.constant 0 : i32
        %dma_wait3A_17 = tpu.memref_slice %arg6[%dma_wait3A, %dma_wait3A_16] : memref<12288x128xf32, #tpu.memory_space<hbm>> -> memref<12288x128xf32, #tpu.memory_space<hbm>>
        tpu.wait_indirect_dma semaphore(%run_scoped3A : memref<!tpu.dma_semaphore, #tpu.memory_space<semaphore_mem>>) src(%arg9 : memref<8x128xf32, #tpu.memory_space<vmem>>) dst(%dma_wait3A_17 : memref<12288x128xf32, #tpu.memory_space<hbm>>)
        tpu.yield
      }) : () -> ()
    }
    %scan3A_6 = arith.constant 16 : i32
    return
  }
}

#map = affine_map<(d0, d1) -> (0, 0)>
#map1 = affine_map<(d0, d1) -> (0)>
module attributes {stable_mosaic.version = 14 : i64} {
  func.func @k(%arg0: i32, %arg1: i32, %arg2: memref<12288x1024xf32, #tpu.memory_space<hbm>>, %arg3: memref<2048xi32, #tpu.memory_space<hbm>>, %arg4: memref<2048xi32, #tpu.memory_space<hbm>>, %arg5: memref<2048x1024xf32, #tpu.memory_space<hbm>>, %arg6: memref<8xi32, #tpu.memory_space<vmem>>, %arg7: memref<8xi32, #tpu.memory_space<vmem>>, %arg8: memref<8x1024xf32, #tpu.memory_space<vmem>>, %arg9: memref<8x1024xf32, #tpu.memory_space<vmem>>, %arg10: memref<8x1024xf32, #tpu.memory_space<vmem>>, %arg11: memref<!tpu.dma_semaphore, #tpu.memory_space<semaphore_mem>>, %arg12: memref<!tpu.dma_semaphore, #tpu.memory_space<semaphore_mem>>) attributes {dimension_semantics = [#tpu.dimension_semantics<core_parallel>, #tpu.dimension_semantics<subcore_parallel>], iteration_bounds = array<i64: 2, 16>, scalar_prefetch = 0 : i64, scratch_operands = 7 : i64, tpu.core_type = #tpu.core_type<sc_vector_subcore>, window_params = [{transform_indices = #map}, {transform_indices = #map1}, {transform_indices = #map1}, {transform_indices = #map}]} {
    %mul3A = arith.constant 2 : i32
    %mul3A_0 = arith.muli %arg1, %mul3A : i32
    %add3A = arith.addi %mul3A_0, %arg0 : i32
    %mul3A_1 = arith.constant 64 : i32
    %mul3A_2 = arith.muli %add3A, %mul3A_1 : i32
    %scan3A = arith.constant 0 : i32
    %scan3A_3 = arith.constant 8 : i32
    %scan3A_4 = arith.addi %scan3A, %scan3A_3 : i32
    %scan3A_5 = arith.constant 1 : i32
    scf.for %scan3A_7 = %scan3A to %scan3A_4 step %scan3A_5  : i32 {
      %mul3A_8 = arith.constant 8 : i32
      %mul3A_9 = arith.muli %scan3A_7, %mul3A_8 : i32
      %add3A_10 = arith.constant 0 : i32
      %add3A_11 = arith.addi %add3A_10, %mul3A_9 : i32
      %add3A_12 = arith.addi %mul3A_2, %add3A_11 : i32
      "tpu.region"() ({
        %run_scoped3A = tpu.sem_alloc : memref<!tpu.dma_semaphore, #tpu.memory_space<semaphore_mem>>
        %dma_start3A_63 = tpu.memref_slice %arg3[%add3A_12] : memref<2048xi32, #tpu.memory_space<hbm>> -> memref<8xi32, #tpu.memory_space<hbm>>
        %dma_start3A_64 = tpu.memref_slice %arg3[%add3A_12] : memref<2048xi32, #tpu.memory_space<hbm>> -> memref<8xi32, #tpu.memory_space<hbm>>
        tpu.enqueue_dma source(%dma_start3A_64 : memref<8xi32, #tpu.memory_space<hbm>>) target(%arg6 : memref<8xi32, #tpu.memory_space<vmem>>) target_semaphore(%run_scoped3A : memref<!tpu.dma_semaphore, #tpu.memory_space<semaphore_mem>>)
        %dma_wait3A_65 = tpu.memref_slice %arg3[%add3A_12] : memref<2048xi32, #tpu.memory_space<hbm>> -> memref<8xi32, #tpu.memory_space<hbm>>
        %dma_wait3A_66 = tpu.memref_slice %arg3[%add3A_12] : memref<2048xi32, #tpu.memory_space<hbm>> -> memref<8xi32, #tpu.memory_space<hbm>>
        tpu.wait_dma2 semaphore(%run_scoped3A : memref<!tpu.dma_semaphore, #tpu.memory_space<semaphore_mem>>) src(%dma_wait3A_66 : memref<8xi32, #tpu.memory_space<hbm>>) dst(%arg6 : memref<8xi32, #tpu.memory_space<vmem>>)
        tpu.yield
      }) : () -> ()
      "tpu.region"() ({
        %run_scoped3A = tpu.sem_alloc : memref<!tpu.dma_semaphore, #tpu.memory_space<semaphore_mem>>
        %dma_start3A_63 = tpu.memref_slice %arg4[%add3A_12] : memref<2048xi32, #tpu.memory_space<hbm>> -> memref<8xi32, #tpu.memory_space<hbm>>
        %dma_start3A_64 = tpu.memref_slice %arg4[%add3A_12] : memref<2048xi32, #tpu.memory_space<hbm>> -> memref<8xi32, #tpu.memory_space<hbm>>
        tpu.enqueue_dma source(%dma_start3A_64 : memref<8xi32, #tpu.memory_space<hbm>>) target(%arg7 : memref<8xi32, #tpu.memory_space<vmem>>) target_semaphore(%run_scoped3A : memref<!tpu.dma_semaphore, #tpu.memory_space<semaphore_mem>>)
        %dma_wait3A_65 = tpu.memref_slice %arg4[%add3A_12] : memref<2048xi32, #tpu.memory_space<hbm>> -> memref<8xi32, #tpu.memory_space<hbm>>
        %dma_wait3A_66 = tpu.memref_slice %arg4[%add3A_12] : memref<2048xi32, #tpu.memory_space<hbm>> -> memref<8xi32, #tpu.memory_space<hbm>>
        tpu.wait_dma2 semaphore(%run_scoped3A : memref<!tpu.dma_semaphore, #tpu.memory_space<semaphore_mem>>) src(%dma_wait3A_66 : memref<8xi32, #tpu.memory_space<hbm>>) dst(%arg7 : memref<8xi32, #tpu.memory_space<vmem>>)
        tpu.yield
      }) : () -> ()
      %dma_start3A = arith.constant 0 : i32
      %dma_start3A_13 = arith.constant 0 : i32
      %dma_start3A_14 = tpu.memref_slice %arg2[%dma_start3A, %dma_start3A_13] : memref<12288x1024xf32, #tpu.memory_space<hbm>> -> memref<12288x1024xf32, #tpu.memory_space<hbm>>
      tpu.enqueue_indirect_dma source(%dma_start3A_14 : memref<12288x1024xf32, #tpu.memory_space<hbm>>) target(%arg8 : memref<8x1024xf32, #tpu.memory_space<vmem>>) offsets(%arg6 : memref<8xi32, #tpu.memory_space<vmem>>) semaphore(%arg11 : memref<!tpu.dma_semaphore, #tpu.memory_space<semaphore_mem>>)
      %dma_start3A_15 = arith.constant 0 : i32
      %dma_start3A_16 = arith.constant 0 : i32
      %dma_start3A_17 = tpu.memref_slice %arg2[%dma_start3A_15, %dma_start3A_16] : memref<12288x1024xf32, #tpu.memory_space<hbm>> -> memref<12288x1024xf32, #tpu.memory_space<hbm>>
      tpu.enqueue_indirect_dma source(%dma_start3A_17 : memref<12288x1024xf32, #tpu.memory_space<hbm>>) target(%arg9 : memref<8x1024xf32, #tpu.memory_space<vmem>>) offsets(%arg7 : memref<8xi32, #tpu.memory_space<vmem>>) semaphore(%arg12 : memref<!tpu.dma_semaphore, #tpu.memory_space<semaphore_mem>>)
      %dma_wait3A = arith.constant 0 : i32
      %dma_wait3A_18 = arith.constant 0 : i32
      %dma_wait3A_19 = tpu.memref_slice %arg2[%dma_wait3A, %dma_wait3A_18] : memref<12288x1024xf32, #tpu.memory_space<hbm>> -> memref<12288x1024xf32, #tpu.memory_space<hbm>>
      tpu.wait_indirect_dma semaphore(%arg11 : memref<!tpu.dma_semaphore, #tpu.memory_space<semaphore_mem>>) src(%dma_wait3A_19 : memref<12288x1024xf32, #tpu.memory_space<hbm>>) dst(%arg8 : memref<8x1024xf32, #tpu.memory_space<vmem>>)
      %dma_wait3A_20 = arith.constant 0 : i32
      %dma_wait3A_21 = arith.constant 0 : i32
      %dma_wait3A_22 = tpu.memref_slice %arg2[%dma_wait3A_20, %dma_wait3A_21] : memref<12288x1024xf32, #tpu.memory_space<hbm>> -> memref<12288x1024xf32, #tpu.memory_space<hbm>>
      tpu.wait_indirect_dma semaphore(%arg12 : memref<!tpu.dma_semaphore, #tpu.memory_space<semaphore_mem>>) src(%dma_wait3A_22 : memref<12288x1024xf32, #tpu.memory_space<hbm>>) dst(%arg9 : memref<8x1024xf32, #tpu.memory_space<vmem>>)
      %scan3A_23 = arith.constant 0 : i32
      %scan3A_24 = arith.constant 64 : i32
      %scan3A_25 = arith.addi %scan3A_23, %scan3A_24 : i32
      %scan3A_26 = arith.constant 1 : i32
      scf.for %scan3A_63 = %scan3A_23 to %scan3A_25 step %scan3A_26  : i32 {
        %mul3A_64 = arith.constant 16 : i32
        %mul3A_65 = arith.muli %scan3A_63, %mul3A_64 : i32
        %add3A_66 = arith.constant 0 : i32
        %add3A_67 = arith.addi %add3A_66, %mul3A_65 : i32
        %get3A = arith.constant 0 : i32
        %get3A_68 = arith.index_cast %get3A : i32 to index
        %get3A_69 = arith.index_cast %add3A_67 : i32 to index
        %get3A_70 = tpu.vector_load %arg8[%get3A_68, %get3A_69] {strides = array<i32>} : memref<8x1024xf32, #tpu.memory_space<vmem>>, vector<1x16xf32>,
        %get3A_71 = vector.shape_cast %get3A_70 : vector<1x16xf32> to vector<16xf32>
        %get3A_72 = arith.constant 0 : i32
        %get3A_73 = arith.index_cast %get3A_72 : i32 to index
        %get3A_74 = arith.index_cast %add3A_67 : i32 to index
        %get3A_75 = tpu.vector_load %arg9[%get3A_73, %get3A_74] {strides = array<i32>} : memref<8x1024xf32, #tpu.memory_space<vmem>>, vector<1x16xf32>,
        %get3A_76 = vector.shape_cast %get3A_75 : vector<1x16xf32> to vector<16xf32>
        %add3A_77 = arith.addf %get3A_71, %get3A_76 : vector<16xf32>
        %swap3A = arith.constant 0 : i32
        %swap3A_78 = arith.index_cast %swap3A : i32 to index
        %swap3A_79 = arith.index_cast %add3A_67 : i32 to index
        %swap3A_80 = tpu.vector_load %arg10[%swap3A_78, %swap3A_79] {strides = array<i32>} : memref<8x1024xf32, #tpu.memory_space<vmem>>, vector<1x16xf32>,
        %swap3A_81 = vector.shape_cast %swap3A_80 : vector<1x16xf32> to vector<16xf32>
        %swap3A_82 = vector.shape_cast %add3A_77 : vector<16xf32> to vector<1x16xf32>
        tpu.vector_store %arg10[%swap3A_78, %swap3A_79], %swap3A_82 {strides = array<i32>} : memref<8x1024xf32, #tpu.memory_space<vmem>>, vector<1x16xf32>,
      }
      %scan3A_27 = arith.constant 64 : i32
      %scan3A_28 = arith.constant 0 : i32
      %scan3A_29 = arith.constant 64 : i32
      %scan3A_30 = arith.addi %scan3A_28, %scan3A_29 : i32
      %scan3A_31 = arith.constant 1 : i32
      scf.for %scan3A_63 = %scan3A_28 to %scan3A_30 step %scan3A_31  : i32 {
        %mul3A_64 = arith.constant 16 : i32
        %mul3A_65 = arith.muli %scan3A_63, %mul3A_64 : i32
        %add3A_66 = arith.constant 0 : i32
        %add3A_67 = arith.addi %add3A_66, %mul3A_65 : i32
        %get3A = arith.constant 1 : i32
        %get3A_68 = arith.index_cast %get3A : i32 to index
        %get3A_69 = arith.index_cast %add3A_67 : i32 to index
        %get3A_70 = tpu.vector_load %arg8[%get3A_68, %get3A_69] {strides = array<i32>} : memref<8x1024xf32, #tpu.memory_space<vmem>>, vector<1x16xf32>,
        %get3A_71 = vector.shape_cast %get3A_70 : vector<1x16xf32> to vector<16xf32>
        %get3A_72 = arith.constant 1 : i32
        %get3A_73 = arith.index_cast %get3A_72 : i32 to index
        %get3A_74 = arith.index_cast %add3A_67 : i32 to index
        %get3A_75 = tpu.vector_load %arg9[%get3A_73, %get3A_74] {strides = array<i32>} : memref<8x1024xf32, #tpu.memory_space<vmem>>, vector<1x16xf32>,
        %get3A_76 = vector.shape_cast %get3A_75 : vector<1x16xf32> to vector<16xf32>
        %add3A_77 = arith.addf %get3A_71, %get3A_76 : vector<16xf32>
        %swap3A = arith.constant 1 : i32
        %swap3A_78 = arith.index_cast %swap3A : i32 to index
        %swap3A_79 = arith.index_cast %add3A_67 : i32 to index
        %swap3A_80 = tpu.vector_load %arg10[%swap3A_78, %swap3A_79] {strides = array<i32>} : memref<8x1024xf32, #tpu.memory_space<vmem>>, vector<1x16xf32>,
        %swap3A_81 = vector.shape_cast %swap3A_80 : vector<1x16xf32> to vector<16xf32>
        %swap3A_82 = vector.shape_cast %add3A_77 : vector<16xf32> to vector<1x16xf32>
        tpu.vector_store %arg10[%swap3A_78, %swap3A_79], %swap3A_82 {strides = array<i32>} : memref<8x1024xf32, #tpu.memory_space<vmem>>, vector<1x16xf32>,
      }
      %scan3A_32 = arith.constant 64 : i32
      %scan3A_33 = arith.constant 0 : i32
      %scan3A_34 = arith.constant 64 : i32
      %scan3A_35 = arith.addi %scan3A_33, %scan3A_34 : i32
      %scan3A_36 = arith.constant 1 : i32
      scf.for %scan3A_63 = %scan3A_33 to %scan3A_35 step %scan3A_36  : i32 {
        %mul3A_64 = arith.constant 16 : i32
        %mul3A_65 = arith.muli %scan3A_63, %mul3A_64 : i32
        %add3A_66 = arith.constant 0 : i32
        %add3A_67 = arith.addi %add3A_66, %mul3A_65 : i32
        %get3A = arith.constant 2 : i32
        %get3A_68 = arith.index_cast %get3A : i32 to index
        %get3A_69 = arith.index_cast %add3A_67 : i32 to index
        %get3A_70 = tpu.vector_load %arg8[%get3A_68, %get3A_69] {strides = array<i32>} : memref<8x1024xf32, #tpu.memory_space<vmem>>, vector<1x16xf32>,
        %get3A_71 = vector.shape_cast %get3A_70 : vector<1x16xf32> to vector<16xf32>
        %get3A_72 = arith.constant 2 : i32
        %get3A_73 = arith.index_cast %get3A_72 : i32 to index
        %get3A_74 = arith.index_cast %add3A_67 : i32 to index
        %get3A_75 = tpu.vector_load %arg9[%get3A_73, %get3A_74] {strides = array<i32>} : memref<8x1024xf32, #tpu.memory_space<vmem>>, vector<1x16xf32>,
        %get3A_76 = vector.shape_cast %get3A_75 : vector<1x16xf32> to vector<16xf32>
        %add3A_77 = arith.addf %get3A_71, %get3A_76 : vector<16xf32>
        %swap3A = arith.constant 2 : i32
        %swap3A_78 = arith.index_cast %swap3A : i32 to index
        %swap3A_79 = arith.index_cast %add3A_67 : i32 to index
        %swap3A_80 = tpu.vector_load %arg10[%swap3A_78, %swap3A_79] {strides = array<i32>} : memref<8x1024xf32, #tpu.memory_space<vmem>>, vector<1x16xf32>,
        %swap3A_81 = vector.shape_cast %swap3A_80 : vector<1x16xf32> to vector<16xf32>
        %swap3A_82 = vector.shape_cast %add3A_77 : vector<16xf32> to vector<1x16xf32>
        tpu.vector_store %arg10[%swap3A_78, %swap3A_79], %swap3A_82 {strides = array<i32>} : memref<8x1024xf32, #tpu.memory_space<vmem>>, vector<1x16xf32>,
      }
      %scan3A_37 = arith.constant 64 : i32
      %scan3A_38 = arith.constant 0 : i32
      %scan3A_39 = arith.constant 64 : i32
      %scan3A_40 = arith.addi %scan3A_38, %scan3A_39 : i32
      %scan3A_41 = arith.constant 1 : i32
      scf.for %scan3A_63 = %scan3A_38 to %scan3A_40 step %scan3A_41  : i32 {
        %mul3A_64 = arith.constant 16 : i32
        %mul3A_65 = arith.muli %scan3A_63, %mul3A_64 : i32
        %add3A_66 = arith.constant 0 : i32
        %add3A_67 = arith.addi %add3A_66, %mul3A_65 : i32
        %get3A = arith.constant 3 : i32
        %get3A_68 = arith.index_cast %get3A : i32 to index
        %get3A_69 = arith.index_cast %add3A_67 : i32 to index
        %get3A_70 = tpu.vector_load %arg8[%get3A_68, %get3A_69] {strides = array<i32>} : memref<8x1024xf32, #tpu.memory_space<vmem>>, vector<1x16xf32>,
        %get3A_71 = vector.shape_cast %get3A_70 : vector<1x16xf32> to vector<16xf32>
        %get3A_72 = arith.constant 3 : i32
        %get3A_73 = arith.index_cast %get3A_72 : i32 to index
        %get3A_74 = arith.index_cast %add3A_67 : i32 to index
        %get3A_75 = tpu.vector_load %arg9[%get3A_73, %get3A_74] {strides = array<i32>} : memref<8x1024xf32, #tpu.memory_space<vmem>>, vector<1x16xf32>,
        %get3A_76 = vector.shape_cast %get3A_75 : vector<1x16xf32> to vector<16xf32>
        %add3A_77 = arith.addf %get3A_71, %get3A_76 : vector<16xf32>
        %swap3A = arith.constant 3 : i32
        %swap3A_78 = arith.index_cast %swap3A : i32 to index
        %swap3A_79 = arith.index_cast %add3A_67 : i32 to index
        %swap3A_80 = tpu.vector_load %arg10[%swap3A_78, %swap3A_79] {strides = array<i32>} : memref<8x1024xf32, #tpu.memory_space<vmem>>, vector<1x16xf32>,
        %swap3A_81 = vector.shape_cast %swap3A_80 : vector<1x16xf32> to vector<16xf32>
        %swap3A_82 = vector.shape_cast %add3A_77 : vector<16xf32> to vector<1x16xf32>
        tpu.vector_store %arg10[%swap3A_78, %swap3A_79], %swap3A_82 {strides = array<i32>} : memref<8x1024xf32, #tpu.memory_space<vmem>>, vector<1x16xf32>,
      }
      %scan3A_42 = arith.constant 64 : i32
      %scan3A_43 = arith.constant 0 : i32
      %scan3A_44 = arith.constant 64 : i32
      %scan3A_45 = arith.addi %scan3A_43, %scan3A_44 : i32
      %scan3A_46 = arith.constant 1 : i32
      scf.for %scan3A_63 = %scan3A_43 to %scan3A_45 step %scan3A_46  : i32 {
        %mul3A_64 = arith.constant 16 : i32
        %mul3A_65 = arith.muli %scan3A_63, %mul3A_64 : i32
        %add3A_66 = arith.constant 0 : i32
        %add3A_67 = arith.addi %add3A_66, %mul3A_65 : i32
        %get3A = arith.constant 4 : i32
        %get3A_68 = arith.index_cast %get3A : i32 to index
        %get3A_69 = arith.index_cast %add3A_67 : i32 to index
        %get3A_70 = tpu.vector_load %arg8[%get3A_68, %get3A_69] {strides = array<i32>} : memref<8x1024xf32, #tpu.memory_space<vmem>>, vector<1x16xf32>,
        %get3A_71 = vector.shape_cast %get3A_70 : vector<1x16xf32> to vector<16xf32>
        %get3A_72 = arith.constant 4 : i32
        %get3A_73 = arith.index_cast %get3A_72 : i32 to index
        %get3A_74 = arith.index_cast %add3A_67 : i32 to index
        %get3A_75 = tpu.vector_load %arg9[%get3A_73, %get3A_74] {strides = array<i32>} : memref<8x1024xf32, #tpu.memory_space<vmem>>, vector<1x16xf32>,
        %get3A_76 = vector.shape_cast %get3A_75 : vector<1x16xf32> to vector<16xf32>
        %add3A_77 = arith.addf %get3A_71, %get3A_76 : vector<16xf32>
        %swap3A = arith.constant 4 : i32
        %swap3A_78 = arith.index_cast %swap3A : i32 to index
        %swap3A_79 = arith.index_cast %add3A_67 : i32 to index
        %swap3A_80 = tpu.vector_load %arg10[%swap3A_78, %swap3A_79] {strides = array<i32>} : memref<8x1024xf32, #tpu.memory_space<vmem>>, vector<1x16xf32>,
        %swap3A_81 = vector.shape_cast %swap3A_80 : vector<1x16xf32> to vector<16xf32>
        %swap3A_82 = vector.shape_cast %add3A_77 : vector<16xf32> to vector<1x16xf32>
        tpu.vector_store %arg10[%swap3A_78, %swap3A_79], %swap3A_82 {strides = array<i32>} : memref<8x1024xf32, #tpu.memory_space<vmem>>, vector<1x16xf32>,
      }
      %scan3A_47 = arith.constant 64 : i32
      %scan3A_48 = arith.constant 0 : i32
      %scan3A_49 = arith.constant 64 : i32
      %scan3A_50 = arith.addi %scan3A_48, %scan3A_49 : i32
      %scan3A_51 = arith.constant 1 : i32
      scf.for %scan3A_63 = %scan3A_48 to %scan3A_50 step %scan3A_51  : i32 {
        %mul3A_64 = arith.constant 16 : i32
        %mul3A_65 = arith.muli %scan3A_63, %mul3A_64 : i32
        %add3A_66 = arith.constant 0 : i32
        %add3A_67 = arith.addi %add3A_66, %mul3A_65 : i32
        %get3A = arith.constant 5 : i32
        %get3A_68 = arith.index_cast %get3A : i32 to index
        %get3A_69 = arith.index_cast %add3A_67 : i32 to index
        %get3A_70 = tpu.vector_load %arg8[%get3A_68, %get3A_69] {strides = array<i32>} : memref<8x1024xf32, #tpu.memory_space<vmem>>, vector<1x16xf32>,
        %get3A_71 = vector.shape_cast %get3A_70 : vector<1x16xf32> to vector<16xf32>
        %get3A_72 = arith.constant 5 : i32
        %get3A_73 = arith.index_cast %get3A_72 : i32 to index
        %get3A_74 = arith.index_cast %add3A_67 : i32 to index
        %get3A_75 = tpu.vector_load %arg9[%get3A_73, %get3A_74] {strides = array<i32>} : memref<8x1024xf32, #tpu.memory_space<vmem>>, vector<1x16xf32>,
        %get3A_76 = vector.shape_cast %get3A_75 : vector<1x16xf32> to vector<16xf32>
        %add3A_77 = arith.addf %get3A_71, %get3A_76 : vector<16xf32>
        %swap3A = arith.constant 5 : i32
        %swap3A_78 = arith.index_cast %swap3A : i32 to index
        %swap3A_79 = arith.index_cast %add3A_67 : i32 to index
        %swap3A_80 = tpu.vector_load %arg10[%swap3A_78, %swap3A_79] {strides = array<i32>} : memref<8x1024xf32, #tpu.memory_space<vmem>>, vector<1x16xf32>,
        %swap3A_81 = vector.shape_cast %swap3A_80 : vector<1x16xf32> to vector<16xf32>
        %swap3A_82 = vector.shape_cast %add3A_77 : vector<16xf32> to vector<1x16xf32>
        tpu.vector_store %arg10[%swap3A_78, %swap3A_79], %swap3A_82 {strides = array<i32>} : memref<8x1024xf32, #tpu.memory_space<vmem>>, vector<1x16xf32>,
      }
      %scan3A_52 = arith.constant 64 : i32
      %scan3A_53 = arith.constant 0 : i32
      %scan3A_54 = arith.constant 64 : i32
      %scan3A_55 = arith.addi %scan3A_53, %scan3A_54 : i32
      %scan3A_56 = arith.constant 1 : i32
      scf.for %scan3A_63 = %scan3A_53 to %scan3A_55 step %scan3A_56  : i32 {
        %mul3A_64 = arith.constant 16 : i32
        %mul3A_65 = arith.muli %scan3A_63, %mul3A_64 : i32
        %add3A_66 = arith.constant 0 : i32
        %add3A_67 = arith.addi %add3A_66, %mul3A_65 : i32
        %get3A = arith.constant 6 : i32
        %get3A_68 = arith.index_cast %get3A : i32 to index
        %get3A_69 = arith.index_cast %add3A_67 : i32 to index
        %get3A_70 = tpu.vector_load %arg8[%get3A_68, %get3A_69] {strides = array<i32>} : memref<8x1024xf32, #tpu.memory_space<vmem>>, vector<1x16xf32>,
        %get3A_71 = vector.shape_cast %get3A_70 : vector<1x16xf32> to vector<16xf32>
        %get3A_72 = arith.constant 6 : i32
        %get3A_73 = arith.index_cast %get3A_72 : i32 to index
        %get3A_74 = arith.index_cast %add3A_67 : i32 to index
        %get3A_75 = tpu.vector_load %arg9[%get3A_73, %get3A_74] {strides = array<i32>} : memref<8x1024xf32, #tpu.memory_space<vmem>>, vector<1x16xf32>,
        %get3A_76 = vector.shape_cast %get3A_75 : vector<1x16xf32> to vector<16xf32>
        %add3A_77 = arith.addf %get3A_71, %get3A_76 : vector<16xf32>
        %swap3A = arith.constant 6 : i32
        %swap3A_78 = arith.index_cast %swap3A : i32 to index
        %swap3A_79 = arith.index_cast %add3A_67 : i32 to index
        %swap3A_80 = tpu.vector_load %arg10[%swap3A_78, %swap3A_79] {strides = array<i32>} : memref<8x1024xf32, #tpu.memory_space<vmem>>, vector<1x16xf32>,
        %swap3A_81 = vector.shape_cast %swap3A_80 : vector<1x16xf32> to vector<16xf32>
        %swap3A_82 = vector.shape_cast %add3A_77 : vector<16xf32> to vector<1x16xf32>
        tpu.vector_store %arg10[%swap3A_78, %swap3A_79], %swap3A_82 {strides = array<i32>} : memref<8x1024xf32, #tpu.memory_space<vmem>>, vector<1x16xf32>,
      }
      %scan3A_57 = arith.constant 64 : i32
      %scan3A_58 = arith.constant 0 : i32
      %scan3A_59 = arith.constant 64 : i32
      %scan3A_60 = arith.addi %scan3A_58, %scan3A_59 : i32
      %scan3A_61 = arith.constant 1 : i32
      scf.for %scan3A_63 = %scan3A_58 to %scan3A_60 step %scan3A_61  : i32 {
        %mul3A_64 = arith.constant 16 : i32
        %mul3A_65 = arith.muli %scan3A_63, %mul3A_64 : i32
        %add3A_66 = arith.constant 0 : i32
        %add3A_67 = arith.addi %add3A_66, %mul3A_65 : i32
        %get3A = arith.constant 7 : i32
        %get3A_68 = arith.index_cast %get3A : i32 to index
        %get3A_69 = arith.index_cast %add3A_67 : i32 to index
        %get3A_70 = tpu.vector_load %arg8[%get3A_68, %get3A_69] {strides = array<i32>} : memref<8x1024xf32, #tpu.memory_space<vmem>>, vector<1x16xf32>,
        %get3A_71 = vector.shape_cast %get3A_70 : vector<1x16xf32> to vector<16xf32>
        %get3A_72 = arith.constant 7 : i32
        %get3A_73 = arith.index_cast %get3A_72 : i32 to index
        %get3A_74 = arith.index_cast %add3A_67 : i32 to index
        %get3A_75 = tpu.vector_load %arg9[%get3A_73, %get3A_74] {strides = array<i32>} : memref<8x1024xf32, #tpu.memory_space<vmem>>, vector<1x16xf32>,
        %get3A_76 = vector.shape_cast %get3A_75 : vector<1x16xf32> to vector<16xf32>
        %add3A_77 = arith.addf %get3A_71, %get3A_76 : vector<16xf32>
        %swap3A = arith.constant 7 : i32
        %swap3A_78 = arith.index_cast %swap3A : i32 to index
        %swap3A_79 = arith.index_cast %add3A_67 : i32 to index
        %swap3A_80 = tpu.vector_load %arg10[%swap3A_78, %swap3A_79] {strides = array<i32>} : memref<8x1024xf32, #tpu.memory_space<vmem>>, vector<1x16xf32>,
        %swap3A_81 = vector.shape_cast %swap3A_80 : vector<1x16xf32> to vector<16xf32>
        %swap3A_82 = vector.shape_cast %add3A_77 : vector<16xf32> to vector<1x16xf32>
        tpu.vector_store %arg10[%swap3A_78, %swap3A_79], %swap3A_82 {strides = array<i32>} : memref<8x1024xf32, #tpu.memory_space<vmem>>, vector<1x16xf32>,
      }
      %scan3A_62 = arith.constant 64 : i32
      "tpu.region"() ({
        %run_scoped3A = tpu.sem_alloc : memref<!tpu.dma_semaphore, #tpu.memory_space<semaphore_mem>>
        %dma_start3A_63 = arith.constant 0 : i32
        %dma_start3A_64 = tpu.memref_slice %arg5[%add3A_12, %dma_start3A_63] : memref<2048x1024xf32, #tpu.memory_space<hbm>> -> memref<8x1024xf32, #tpu.memory_space<hbm>>
        %dma_start3A_65 = arith.constant 0 : i32
        %dma_start3A_66 = tpu.memref_slice %arg5[%add3A_12, %dma_start3A_65] : memref<2048x1024xf32, #tpu.memory_space<hbm>> -> memref<8x1024xf32, #tpu.memory_space<hbm>>
        tpu.enqueue_dma source(%arg10 : memref<8x1024xf32, #tpu.memory_space<vmem>>) target(%dma_start3A_66 : memref<8x1024xf32, #tpu.memory_space<hbm>>) target_semaphore(%run_scoped3A : memref<!tpu.dma_semaphore, #tpu.memory_space<semaphore_mem>>)
        %dma_wait3A_67 = arith.constant 0 : i32
        %dma_wait3A_68 = tpu.memref_slice %arg5[%add3A_12, %dma_wait3A_67] : memref<2048x1024xf32, #tpu.memory_space<hbm>> -> memref<8x1024xf32, #tpu.memory_space<hbm>>
        %dma_wait3A_69 = arith.constant 0 : i32
        %dma_wait3A_70 = tpu.memref_slice %arg5[%add3A_12, %dma_wait3A_69] : memref<2048x1024xf32, #tpu.memory_space<hbm>> -> memref<8x1024xf32, #tpu.memory_space<hbm>>
        tpu.wait_dma2 semaphore(%run_scoped3A : memref<!tpu.dma_semaphore, #tpu.memory_space<semaphore_mem>>) src(%arg10 : memref<8x1024xf32, #tpu.memory_space<vmem>>) dst(%dma_wait3A_70 : memref<8x1024xf32, #tpu.memory_space<hbm>>)
        tpu.yield
      }) : () -> ()
    }
    %scan3A_6 = arith.constant 8 : i32
    return
  }
}

module attributes {stable_mosaic.version = 14 : i64} {
  func.func @_lambda_(%arg0: memref<2048x16xf32, #tpu.memory_space<vmem>>, %arg1: memref<24x1xi32, #tpu.memory_space<vmem>>, %arg2: memref<4096x1xi32, #tpu.memory_space<vmem>>, %arg3: memref<4096x128xf32, #tpu.memory_space<vmem>>) attributes {dimension_semantics = [], scalar_prefetch = 0 : i64, scratch_operands = 0 : i64, tpu.core_type = #tpu.core_type<tc>} {
    %get3A = arith.constant 0 : index
    %get3A_0 = arith.constant 0 : index
    %get3A_1 = vector.load %arg0[%get3A, %get3A_0] : memref<2048x16xf32, #tpu.memory_space<vmem>>, vector<2048x16xf32>
    %reduce_max3A = arith.constant dense<0xFF800000> : vector<2048xf32>
    %reduce_max3A_2 = vector.multi_reduction <maximumf>, %get3A_1, %reduce_max3A [1] : vector<2048x16xf32> to vector<2048xf32>
    %broadcast_in_dim3A = vector.shape_cast %reduce_max3A_2 : vector<2048xf32> to vector<2048x1xf32>
    %sub3A = vector.broadcast %broadcast_in_dim3A : vector<2048x1xf32> to vector<2048x16xf32>
    %sub3A_3 = arith.subf %get3A_1, %sub3A : vector<2048x16xf32>
    %exp3A = math.exp %sub3A_3 : vector<2048x16xf32>
    %reduce_sum3A = arith.constant dense<0.000000e+00> : vector<2048xf32>
    %reduce_sum3A_4 = vector.multi_reduction <add>, %exp3A, %reduce_sum3A [1] : vector<2048x16xf32> to vector<2048xf32>
    %broadcast_in_dim3A_5 = vector.shape_cast %reduce_sum3A_4 : vector<2048xf32> to vector<2048x1xf32>
    %div3A = vector.broadcast %broadcast_in_dim3A_5 : vector<2048x1xf32> to vector<2048x16xf32>
    %div3A_6 = arith.divf %exp3A, %div3A : vector<2048x16xf32>
    %iota3A = tpu.iota {dimensions = array<i32: 1>} : vector<2048x16xi32>
    %reduce_max3A_7 = arith.constant dense<0xFF800000> : vector<2048xf32>
    %reduce_max3A_8 = vector.multi_reduction <maximumf>, %div3A_6, %reduce_max3A_7 [1] : vector<2048x16xf32> to vector<2048xf32>
    %broadcast_in_dim3A_9 = vector.shape_cast %reduce_max3A_8 : vector<2048xf32> to vector<2048x1xf32>
    %eq3A = vector.broadcast %broadcast_in_dim3A_9 : vector<2048x1xf32> to vector<2048x16xf32>
    %eq3A_10 = arith.cmpf oeq, %div3A_6, %eq3A : vector<2048x16xf32>
    %jit3A = arith.constant 16 : i32
    %broadcast_in_dim3A_11 = vector.broadcast %jit3A : i32 to vector<2048x16xi32>
    %select_n3A = arith.select %eq3A_10, %iota3A, %broadcast_in_dim3A_11 : vector<2048x16xi1>, vector<2048x16xi32>
    %reduce_min3A = arith.constant dense<2147483647> : vector<2048xi32>
    %reduce_min3A_12 = vector.multi_reduction <minsi>, %select_n3A, %reduce_min3A [1] : vector<2048x16xi32> to vector<2048xi32>
    %broadcast_in_dim3A_13 = vector.shape_cast %reduce_min3A_12 : vector<2048xi32> to vector<2048x1xi32>
    %eq3A_14 = vector.broadcast %broadcast_in_dim3A_13 : vector<2048x1xi32> to vector<2048x16xi32>
    %eq3A_15 = arith.cmpi eq, %iota3A, %eq3A_14 : vector<2048x16xi32>
    %jit3A_16 = arith.constant -1.000000e+00 : f32
    %broadcast_in_dim3A_17 = vector.broadcast %jit3A_16 : f32 to vector<2048x16xf32>
    %select_n3A_18 = arith.select %eq3A_15, %broadcast_in_dim3A_17, %div3A_6 : vector<2048x16xi1>, vector<2048x16xf32>
    %reduce_max3A_19 = arith.constant dense<0xFF800000> : vector<2048xf32>
    %reduce_max3A_20 = vector.multi_reduction <maximumf>, %select_n3A_18, %reduce_max3A_19 [1] : vector<2048x16xf32> to vector<2048xf32>
    %broadcast_in_dim3A_21 = vector.shape_cast %reduce_max3A_20 : vector<2048xf32> to vector<2048x1xf32>
    %eq3A_22 = vector.broadcast %broadcast_in_dim3A_21 : vector<2048x1xf32> to vector<2048x16xf32>
    %eq3A_23 = arith.cmpf oeq, %select_n3A_18, %eq3A_22 : vector<2048x16xf32>
    %jit3A_24 = arith.constant 16 : i32
    %broadcast_in_dim3A_25 = vector.broadcast %jit3A_24 : i32 to vector<2048x16xi32>
    %select_n3A_26 = arith.select %eq3A_23, %iota3A, %broadcast_in_dim3A_25 : vector<2048x16xi1>, vector<2048x16xi32>
    %reduce_min3A_27 = arith.constant dense<2147483647> : vector<2048xi32>
    %reduce_min3A_28 = vector.multi_reduction <minsi>, %select_n3A_26, %reduce_min3A_27 [1] : vector<2048x16xi32> to vector<2048xi32>
    %broadcast_in_dim3A_29 = vector.shape_cast %reduce_min3A_28 : vector<2048xi32> to vector<2048x1xi32>
    %eq3A_30 = vector.broadcast %broadcast_in_dim3A_13 : vector<2048x1xi32> to vector<2048x16xi32>
    %eq3A_31 = arith.cmpi eq, %iota3A, %eq3A_30 : vector<2048x16xi32>
    %convert_element_type3A = arith.extui %eq3A_31 : vector<2048x16xi1> to vector<2048x16xi32>
    %convert_element_type3A_32 = arith.sitofp %convert_element_type3A : vector<2048x16xi32> to vector<2048x16xf32>
    %eq3A_33 = vector.broadcast %broadcast_in_dim3A_29 : vector<2048x1xi32> to vector<2048x16xi32>
    %eq3A_34 = arith.cmpi eq, %iota3A, %eq3A_33 : vector<2048x16xi32>
    %convert_element_type3A_35 = arith.extui %eq3A_34 : vector<2048x16xi1> to vector<2048x16xi32>
    %convert_element_type3A_36 = arith.sitofp %convert_element_type3A_35 : vector<2048x16xi32> to vector<2048x16xf32>
    %concatenate3A = tpu.concatenate %convert_element_type3A_32, %convert_element_type3A_36 in 0 : vector<2048x16xf32>, vector<2048x16xf32> -> vector<4096x16xf32>
    %reduce_sum3A_37 = arith.constant dense<0.000000e+00> : vector<16xf32>
    %reduce_sum3A_38 = vector.multi_reduction <add>, %concatenate3A, %reduce_sum3A_37 [0] : vector<4096x16xf32> to vector<16xf32>
    %broadcast_in_dim3A_39 = vector.shape_cast %reduce_sum3A_38 : vector<16xf32> to vector<1x16xf32>
    %convert_element_type3A_40 = arith.fptosi %broadcast_in_dim3A_39 : vector<1x16xf32> to vector<1x16xi32>
    %add3A = arith.constant 511 : i32
    %add3A_41 = vector.broadcast %add3A : i32 to vector<1x16xi32>
    %add3A_42 = arith.addi %convert_element_type3A_40, %add3A_41 : vector<1x16xi32>
    %jit3A_43 = arith.constant 512 : i32
    %div3A_44 = vector.broadcast %jit3A_43 : i32 to vector<1x16xi32>
    %div3A_45 = arith.divsi %add3A_42, %div3A_44 : vector<1x16xi32>
    %sign3A = arith.constant 0 : i32
    %sign3A_46 = vector.broadcast %sign3A : i32 to vector<1x16xi32>
    %sign3A_47 = arith.cmpi sgt, %add3A_42, %sign3A_46 : vector<1x16xi32>
    %sign3A_48 = arith.extui %sign3A_47 : vector<1x16xi1> to vector<1x16xi32>
    %sign3A_49 = arith.constant 0 : i32
    %sign3A_50 = vector.broadcast %sign3A_49 : i32 to vector<1x16xi32>
    %sign3A_51 = arith.cmpi slt, %add3A_42, %sign3A_50 : vector<1x16xi32>
    %sign3A_52 = arith.extui %sign3A_51 : vector<1x16xi1> to vector<1x16xi32>
    %sign3A_53 = arith.subi %sign3A_48, %sign3A_52 : vector<1x16xi32>
    %sign3A_54 = arith.constant 0 : i32
    %sign3A_55 = arith.cmpi sgt, %jit3A_43, %sign3A_54 : i32
    %sign3A_56 = arith.extui %sign3A_55 : i1 to i32
    %sign3A_57 = arith.constant 0 : i32
    %sign3A_58 = arith.cmpi slt, %jit3A_43, %sign3A_57 : i32
    %sign3A_59 = arith.extui %sign3A_58 : i1 to i32
    %sign3A_60 = arith.subi %sign3A_56, %sign3A_59 : i32
    %ne3A = vector.broadcast %sign3A_60 : i32 to vector<1x16xi32>
    %ne3A_61 = arith.cmpi ne, %sign3A_53, %ne3A : vector<1x16xi32>
    %rem3A = vector.broadcast %jit3A_43 : i32 to vector<1x16xi32>
    %rem3A_62 = arith.remsi %add3A_42, %rem3A : vector<1x16xi32>
    %ne3A_63 = arith.constant 0 : i32
    %ne3A_64 = vector.broadcast %ne3A_63 : i32 to vector<1x16xi32>
    %ne3A_65 = arith.cmpi ne, %rem3A_62, %ne3A_64 : vector<1x16xi32>
    %and3A = arith.andi %ne3A_61, %ne3A_65 : vector<1x16xi1>
    %sub3A_66 = arith.constant 1 : i32
    %sub3A_67 = vector.broadcast %sub3A_66 : i32 to vector<1x16xi32>
    %sub3A_68 = arith.subi %div3A_45, %sub3A_67 : vector<1x16xi32>
    %select_n3A_69 = arith.select %and3A, %sub3A_68, %div3A_45 : vector<1x16xi1>, vector<1x16xi32>
    %mul3A = arith.constant 512 : i32
    %mul3A_70 = vector.broadcast %mul3A : i32 to vector<1x16xi32>
    %mul3A_71 = arith.muli %select_n3A_69, %mul3A_70 : vector<1x16xi32>
    %broadcast_in_dim3A_72 = arith.constant 0 : i32
    %broadcast_in_dim3A_73 = vector.broadcast %broadcast_in_dim3A_72 : i32 to vector<1x1xi32>
    %slice3A = vector.extract_strided_slice %mul3A_71 {offsets = [0, 0], sizes = [1, 15], strides = [1, 1]} : vector<1x16xi32> to vector<1x15xi32>
    %concatenate3A_74 = tpu.concatenate %broadcast_in_dim3A_73, %slice3A in 1 : vector<1x1xi32>, vector<1x15xi32> -> vector<1x16xi32>
    %add3A_75 = arith.addi %mul3A_71, %concatenate3A_74 : vector<1x16xi32>
    %broadcast_in_dim3A_76 = arith.constant 0 : i32
    %broadcast_in_dim3A_77 = vector.broadcast %broadcast_in_dim3A_76 : i32 to vector<1x2xi32>
    %slice3A_78 = vector.extract_strided_slice %add3A_75 {offsets = [0, 0], sizes = [1, 14], strides = [1, 1]} : vector<1x16xi32> to vector<1x14xi32>
    %concatenate3A_79 = tpu.concatenate %broadcast_in_dim3A_77, %slice3A_78 in 1 : vector<1x2xi32>, vector<1x14xi32> -> vector<1x16xi32>
    %add3A_80 = arith.addi %add3A_75, %concatenate3A_79 : vector<1x16xi32>
    %broadcast_in_dim3A_81 = arith.constant 0 : i32
    %broadcast_in_dim3A_82 = vector.broadcast %broadcast_in_dim3A_81 : i32 to vector<1x4xi32>
    %slice3A_83 = vector.extract_strided_slice %add3A_80 {offsets = [0, 0], sizes = [1, 12], strides = [1, 1]} : vector<1x16xi32> to vector<1x12xi32>
    %concatenate3A_84 = tpu.concatenate %broadcast_in_dim3A_82, %slice3A_83 in 1 : vector<1x4xi32>, vector<1x12xi32> -> vector<1x16xi32>
    %add3A_85 = arith.addi %add3A_80, %concatenate3A_84 : vector<1x16xi32>
    %broadcast_in_dim3A_86 = arith.constant 0 : i32
    %broadcast_in_dim3A_87 = vector.broadcast %broadcast_in_dim3A_86 : i32 to vector<1x8xi32>
    %slice3A_88 = vector.extract_strided_slice %add3A_85 {offsets = [0, 0], sizes = [1, 8], strides = [1, 1]} : vector<1x16xi32> to vector<1x8xi32>
    %concatenate3A_89 = tpu.concatenate %broadcast_in_dim3A_87, %slice3A_88 in 1 : vector<1x8xi32>, vector<1x8xi32> -> vector<1x16xi32>
    %add3A_90 = arith.addi %add3A_85, %concatenate3A_89 : vector<1x16xi32>
    %sub3A_91 = arith.subi %add3A_90, %mul3A_71 : vector<1x16xi32>
    %convert_element_type3A_92 = arith.sitofp %sub3A_91 : vector<1x16xi32> to vector<1x16xf32>
    %iota3A_93 = tpu.iota {dimensions = array<i32: 0>} : vector<128x128xi32>
    %iota3A_94 = tpu.iota {dimensions = array<i32: 1>} : vector<128x128xi32>
    %lt3A = arith.cmpi slt, %iota3A_94, %iota3A_93 : vector<128x128xi32>
    %convert_element_type3A_95 = arith.extui %lt3A : vector<128x128xi1> to vector<128x128xi32>
    %convert_element_type3A_96 = arith.sitofp %convert_element_type3A_95 : vector<128x128xi32> to vector<128x128xf32>
    %broadcast_in_dim3A_97 = arith.constant 0.000000e+00 : f32
    %broadcast_in_dim3A_98 = vector.broadcast %broadcast_in_dim3A_97 : f32 to vector<1x16xf32>
    %slice3A_99 = vector.extract_strided_slice %concatenate3A {offsets = [0, 0], sizes = [128, 16], strides = [1, 1]} : vector<4096x16xf32> to vector<128x16xf32>
    %dot_general3A = arith.constant dense<0.000000e+00> : vector<128x16xf32>
    %dot_general3A_100 = tpu.matmul %convert_element_type3A_96, %slice3A_99, %dot_general3A {dimension_numbers = #tpu.dot_dimension_numbers<[1], [0], [0], [1], [0, 0, 1, 1], [], []>, transpose_lhs_hint = false} : vector<128x128xf32>, vector<128x16xf32>, vector<128x16xf32> -> vector<128x16xf32>
    %add3A_101 = vector.broadcast %broadcast_in_dim3A_98 : vector<1x16xf32> to vector<128x16xf32>
    %add3A_102 = arith.addf %dot_general3A_100, %add3A_101 : vector<128x16xf32>
    %add3A_103 = vector.broadcast %convert_element_type3A_92 : vector<1x16xf32> to vector<128x16xf32>
    %add3A_104 = arith.addf %add3A_102, %add3A_103 : vector<128x16xf32>
    %mul3A_105 = arith.mulf %add3A_104, %slice3A_99 : vector<128x16xf32>
    %reduce_sum3A_106 = arith.constant dense<0.000000e+00> : vector<128xf32>
    %reduce_sum3A_107 = vector.multi_reduction <add>, %mul3A_105, %reduce_sum3A_106 [1] : vector<128x16xf32> to vector<128xf32>
    %broadcast_in_dim3A_108 = vector.shape_cast %reduce_sum3A_107 : vector<128xf32> to vector<128x1xf32>
    %convert_element_type3A_109 = arith.fptosi %broadcast_in_dim3A_108 : vector<128x1xf32> to vector<128x1xi32>
    %swap3A = arith.constant 0 : index
    %swap3A_110 = arith.constant 0 : index
    %swap3A_111 = vector.load %arg2[%swap3A, %swap3A_110] : memref<4096x1xi32, #tpu.memory_space<vmem>>, vector<128x1xi32>
    tpu.vector_store %arg2[%swap3A, %swap3A_110], %convert_element_type3A_109 {strides = array<i32>} : memref<4096x1xi32, #tpu.memory_space<vmem>>, vector<128x1xi32>,
    %reduce_sum3A_112 = arith.constant dense<0.000000e+00> : vector<16xf32>
    %reduce_sum3A_113 = vector.multi_reduction <add>, %slice3A_99, %reduce_sum3A_112 [0] : vector<128x16xf32> to vector<16xf32>
    %broadcast_in_dim3A_114 = vector.shape_cast %reduce_sum3A_113 : vector<16xf32> to vector<1x16xf32>
    %add3A_115 = arith.addf %broadcast_in_dim3A_98, %broadcast_in_dim3A_114 : vector<1x16xf32>
    %slice3A_116 = vector.extract_strided_slice %concatenate3A {offsets = [128, 0], sizes = [128, 16], strides = [1, 1]} : vector<4096x16xf32> to vector<128x16xf32>
    %dot_general3A_117 = arith.constant dense<0.000000e+00> : vector<128x16xf32>
    %dot_general3A_118 = tpu.matmul %convert_element_type3A_96, %slice3A_116, %dot_general3A_117 {dimension_numbers = #tpu.dot_dimension_numbers<[1], [0], [0], [1], [0, 0, 1, 1], [], []>, transpose_lhs_hint = false} : vector<128x128xf32>, vector<128x16xf32>, vector<128x16xf32> -> vector<128x16xf32>
    %add3A_119 = vector.broadcast %add3A_115 : vector<1x16xf32> to vector<128x16xf32>
    %add3A_120 = arith.addf %dot_general3A_118, %add3A_119 : vector<128x16xf32>
    %add3A_121 = vector.broadcast %convert_element_type3A_92 : vector<1x16xf32> to vector<128x16xf32>
    %add3A_122 = arith.addf %add3A_120, %add3A_121 : vector<128x16xf32>
    %mul3A_123 = arith.mulf %add3A_122, %slice3A_116 : vector<128x16xf32>
    %reduce_sum3A_124 = arith.constant dense<0.000000e+00> : vector<128xf32>
    %reduce_sum3A_125 = vector.multi_reduction <add>, %mul3A_123, %reduce_sum3A_124 [1] : vector<128x16xf32> to vector<128xf32>
    %broadcast_in_dim3A_126 = vector.shape_cast %reduce_sum3A_125 : vector<128xf32> to vector<128x1xf32>
    %convert_element_type3A_127 = arith.fptosi %broadcast_in_dim3A_126 : vector<128x1xf32> to vector<128x1xi32>
    %swap3A_128 = arith.constant 128 : index
    %swap3A_129 = arith.constant 0 : index
    %swap3A_130 = vector.load %arg2[%swap3A_128, %swap3A_129] : memref<4096x1xi32, #tpu.memory_space<vmem>>, vector<128x1xi32>
    tpu.vector_store %arg2[%swap3A_128, %swap3A_129], %convert_element_type3A_127 {strides = array<i32>} : memref<4096x1xi32, #tpu.memory_space<vmem>>, vector<128x1xi32>,
    %reduce_sum3A_131 = arith.constant dense<0.000000e+00> : vector<16xf32>
    %reduce_sum3A_132 = vector.multi_reduction <add>, %slice3A_116, %reduce_sum3A_131 [0] : vector<128x16xf32> to vector<16xf32>
    %broadcast_in_dim3A_133 = vector.shape_cast %reduce_sum3A_132 : vector<16xf32> to vector<1x16xf32>
    %add3A_134 = arith.addf %add3A_115, %broadcast_in_dim3A_133 : vector<1x16xf32>
    %slice3A_135 = vector.extract_strided_slice %concatenate3A {offsets = [256, 0], sizes = [128, 16], strides = [1, 1]} : vector<4096x16xf32> to vector<128x16xf32>
    %dot_general3A_136 = arith.constant dense<0.000000e+00> : vector<128x16xf32>
    %dot_general3A_137 = tpu.matmul %convert_element_type3A_96, %slice3A_135, %dot_general3A_136 {dimension_numbers = #tpu.dot_dimension_numbers<[1], [0], [0], [1], [0, 0, 1, 1], [], []>, transpose_lhs_hint = false} : vector<128x128xf32>, vector<128x16xf32>, vector<128x16xf32> -> vector<128x16xf32>
    %add3A_138 = vector.broadcast %add3A_134 : vector<1x16xf32> to vector<128x16xf32>
    %add3A_139 = arith.addf %dot_general3A_137, %add3A_138 : vector<128x16xf32>
    %add3A_140 = vector.broadcast %convert_element_type3A_92 : vector<1x16xf32> to vector<128x16xf32>
    %add3A_141 = arith.addf %add3A_139, %add3A_140 : vector<128x16xf32>
    %mul3A_142 = arith.mulf %add3A_141, %slice3A_135 : vector<128x16xf32>
    %reduce_sum3A_143 = arith.constant dense<0.000000e+00> : vector<128xf32>
    %reduce_sum3A_144 = vector.multi_reduction <add>, %mul3A_142, %reduce_sum3A_143 [1] : vector<128x16xf32> to vector<128xf32>
    %broadcast_in_dim3A_145 = vector.shape_cast %reduce_sum3A_144 : vector<128xf32> to vector<128x1xf32>
    %convert_element_type3A_146 = arith.fptosi %broadcast_in_dim3A_145 : vector<128x1xf32> to vector<128x1xi32>
    %swap3A_147 = arith.constant 256 : index
    %swap3A_148 = arith.constant 0 : index
    %swap3A_149 = vector.load %arg2[%swap3A_147, %swap3A_148] : memref<4096x1xi32, #tpu.memory_space<vmem>>, vector<128x1xi32>
    tpu.vector_store %arg2[%swap3A_147, %swap3A_148], %convert_element_type3A_146 {strides = array<i32>} : memref<4096x1xi32, #tpu.memory_space<vmem>>, vector<128x1xi32>,
    %reduce_sum3A_150 = arith.constant dense<0.000000e+00> : vector<16xf32>
    %reduce_sum3A_151 = vector.multi_reduction <add>, %slice3A_135, %reduce_sum3A_150 [0] : vector<128x16xf32> to vector<16xf32>
    %broadcast_in_dim3A_152 = vector.shape_cast %reduce_sum3A_151 : vector<16xf32> to vector<1x16xf32>
    %add3A_153 = arith.addf %add3A_134, %broadcast_in_dim3A_152 : vector<1x16xf32>
    %slice3A_154 = vector.extract_strided_slice %concatenate3A {offsets = [384, 0], sizes = [128, 16], strides = [1, 1]} : vector<4096x16xf32> to vector<128x16xf32>
    %dot_general3A_155 = arith.constant dense<0.000000e+00> : vector<128x16xf32>
    %dot_general3A_156 = tpu.matmul %convert_element_type3A_96, %slice3A_154, %dot_general3A_155 {dimension_numbers = #tpu.dot_dimension_numbers<[1], [0], [0], [1], [0, 0, 1, 1], [], []>, transpose_lhs_hint = false} : vector<128x128xf32>, vector<128x16xf32>, vector<128x16xf32> -> vector<128x16xf32>
    %add3A_157 = vector.broadcast %add3A_153 : vector<1x16xf32> to vector<128x16xf32>
    %add3A_158 = arith.addf %dot_general3A_156, %add3A_157 : vector<128x16xf32>
    %add3A_159 = vector.broadcast %convert_element_type3A_92 : vector<1x16xf32> to vector<128x16xf32>
    %add3A_160 = arith.addf %add3A_158, %add3A_159 : vector<128x16xf32>
    %mul3A_161 = arith.mulf %add3A_160, %slice3A_154 : vector<128x16xf32>
    %reduce_sum3A_162 = arith.constant dense<0.000000e+00> : vector<128xf32>
    %reduce_sum3A_163 = vector.multi_reduction <add>, %mul3A_161, %reduce_sum3A_162 [1] : vector<128x16xf32> to vector<128xf32>
    %broadcast_in_dim3A_164 = vector.shape_cast %reduce_sum3A_163 : vector<128xf32> to vector<128x1xf32>
    %convert_element_type3A_165 = arith.fptosi %broadcast_in_dim3A_164 : vector<128x1xf32> to vector<128x1xi32>
    %swap3A_166 = arith.constant 384 : index
    %swap3A_167 = arith.constant 0 : index
    %swap3A_168 = vector.load %arg2[%swap3A_166, %swap3A_167] : memref<4096x1xi32, #tpu.memory_space<vmem>>, vector<128x1xi32>
    tpu.vector_store %arg2[%swap3A_166, %swap3A_167], %convert_element_type3A_165 {strides = array<i32>} : memref<4096x1xi32, #tpu.memory_space<vmem>>, vector<128x1xi32>,
    %reduce_sum3A_169 = arith.constant dense<0.000000e+00> : vector<16xf32>
    %reduce_sum3A_170 = vector.multi_reduction <add>, %slice3A_154, %reduce_sum3A_169 [0] : vector<128x16xf32> to vector<16xf32>
    %broadcast_in_dim3A_171 = vector.shape_cast %reduce_sum3A_170 : vector<16xf32> to vector<1x16xf32>
    %add3A_172 = arith.addf %add3A_153, %broadcast_in_dim3A_171 : vector<1x16xf32>
    %slice3A_173 = vector.extract_strided_slice %concatenate3A {offsets = [512, 0], sizes = [128, 16], strides = [1, 1]} : vector<4096x16xf32> to vector<128x16xf32>
    %dot_general3A_174 = arith.constant dense<0.000000e+00> : vector<128x16xf32>
    %dot_general3A_175 = tpu.matmul %convert_element_type3A_96, %slice3A_173, %dot_general3A_174 {dimension_numbers = #tpu.dot_dimension_numbers<[1], [0], [0], [1], [0, 0, 1, 1], [], []>, transpose_lhs_hint = false} : vector<128x128xf32>, vector<128x16xf32>, vector<128x16xf32> -> vector<128x16xf32>
    %add3A_176 = vector.broadcast %add3A_172 : vector<1x16xf32> to vector<128x16xf32>
    %add3A_177 = arith.addf %dot_general3A_175, %add3A_176 : vector<128x16xf32>
    %add3A_178 = vector.broadcast %convert_element_type3A_92 : vector<1x16xf32> to vector<128x16xf32>
    %add3A_179 = arith.addf %add3A_177, %add3A_178 : vector<128x16xf32>
    %mul3A_180 = arith.mulf %add3A_179, %slice3A_173 : vector<128x16xf32>
    %reduce_sum3A_181 = arith.constant dense<0.000000e+00> : vector<128xf32>
    %reduce_sum3A_182 = vector.multi_reduction <add>, %mul3A_180, %reduce_sum3A_181 [1] : vector<128x16xf32> to vector<128xf32>
    %broadcast_in_dim3A_183 = vector.shape_cast %reduce_sum3A_182 : vector<128xf32> to vector<128x1xf32>
    %convert_element_type3A_184 = arith.fptosi %broadcast_in_dim3A_183 : vector<128x1xf32> to vector<128x1xi32>
    %swap3A_185 = arith.constant 512 : index
    %swap3A_186 = arith.constant 0 : index
    %swap3A_187 = vector.load %arg2[%swap3A_185, %swap3A_186] : memref<4096x1xi32, #tpu.memory_space<vmem>>, vector<128x1xi32>
    tpu.vector_store %arg2[%swap3A_185, %swap3A_186], %convert_element_type3A_184 {strides = array<i32>} : memref<4096x1xi32, #tpu.memory_space<vmem>>, vector<128x1xi32>,
    %reduce_sum3A_188 = arith.constant dense<0.000000e+00> : vector<16xf32>
    %reduce_sum3A_189 = vector.multi_reduction <add>, %slice3A_173, %reduce_sum3A_188 [0] : vector<128x16xf32> to vector<16xf32>
    %broadcast_in_dim3A_190 = vector.shape_cast %reduce_sum3A_189 : vector<16xf32> to vector<1x16xf32>
    %add3A_191 = arith.addf %add3A_172, %broadcast_in_dim3A_190 : vector<1x16xf32>
    %slice3A_192 = vector.extract_strided_slice %concatenate3A {offsets = [640, 0], sizes = [128, 16], strides = [1, 1]} : vector<4096x16xf32> to vector<128x16xf32>
    %dot_general3A_193 = arith.constant dense<0.000000e+00> : vector<128x16xf32>
    %dot_general3A_194 = tpu.matmul %convert_element_type3A_96, %slice3A_192, %dot_general3A_193 {dimension_numbers = #tpu.dot_dimension_numbers<[1], [0], [0], [1], [0, 0, 1, 1], [], []>, transpose_lhs_hint = false} : vector<128x128xf32>, vector<128x16xf32>, vector<128x16xf32> -> vector<128x16xf32>
    %add3A_195 = vector.broadcast %add3A_191 : vector<1x16xf32> to vector<128x16xf32>
    %add3A_196 = arith.addf %dot_general3A_194, %add3A_195 : vector<128x16xf32>
    %add3A_197 = vector.broadcast %convert_element_type3A_92 : vector<1x16xf32> to vector<128x16xf32>
    %add3A_198 = arith.addf %add3A_196, %add3A_197 : vector<128x16xf32>
    %mul3A_199 = arith.mulf %add3A_198, %slice3A_192 : vector<128x16xf32>
    %reduce_sum3A_200 = arith.constant dense<0.000000e+00> : vector<128xf32>
    %reduce_sum3A_201 = vector.multi_reduction <add>, %mul3A_199, %reduce_sum3A_200 [1] : vector<128x16xf32> to vector<128xf32>
    %broadcast_in_dim3A_202 = vector.shape_cast %reduce_sum3A_201 : vector<128xf32> to vector<128x1xf32>
    %convert_element_type3A_203 = arith.fptosi %broadcast_in_dim3A_202 : vector<128x1xf32> to vector<128x1xi32>
    %swap3A_204 = arith.constant 640 : index
    %swap3A_205 = arith.constant 0 : index
    %swap3A_206 = vector.load %arg2[%swap3A_204, %swap3A_205] : memref<4096x1xi32, #tpu.memory_space<vmem>>, vector<128x1xi32>
    tpu.vector_store %arg2[%swap3A_204, %swap3A_205], %convert_element_type3A_203 {strides = array<i32>} : memref<4096x1xi32, #tpu.memory_space<vmem>>, vector<128x1xi32>,
    %reduce_sum3A_207 = arith.constant dense<0.000000e+00> : vector<16xf32>
    %reduce_sum3A_208 = vector.multi_reduction <add>, %slice3A_192, %reduce_sum3A_207 [0] : vector<128x16xf32> to vector<16xf32>
    %broadcast_in_dim3A_209 = vector.shape_cast %reduce_sum3A_208 : vector<16xf32> to vector<1x16xf32>
    %add3A_210 = arith.addf %add3A_191, %broadcast_in_dim3A_209 : vector<1x16xf32>
    %slice3A_211 = vector.extract_strided_slice %concatenate3A {offsets = [768, 0], sizes = [128, 16], strides = [1, 1]} : vector<4096x16xf32> to vector<128x16xf32>
    %dot_general3A_212 = arith.constant dense<0.000000e+00> : vector<128x16xf32>
    %dot_general3A_213 = tpu.matmul %convert_element_type3A_96, %slice3A_211, %dot_general3A_212 {dimension_numbers = #tpu.dot_dimension_numbers<[1], [0], [0], [1], [0, 0, 1, 1], [], []>, transpose_lhs_hint = false} : vector<128x128xf32>, vector<128x16xf32>, vector<128x16xf32> -> vector<128x16xf32>
    %add3A_214 = vector.broadcast %add3A_210 : vector<1x16xf32> to vector<128x16xf32>
    %add3A_215 = arith.addf %dot_general3A_213, %add3A_214 : vector<128x16xf32>
    %add3A_216 = vector.broadcast %convert_element_type3A_92 : vector<1x16xf32> to vector<128x16xf32>
    %add3A_217 = arith.addf %add3A_215, %add3A_216 : vector<128x16xf32>
    %mul3A_218 = arith.mulf %add3A_217, %slice3A_211 : vector<128x16xf32>
    %reduce_sum3A_219 = arith.constant dense<0.000000e+00> : vector<128xf32>
    %reduce_sum3A_220 = vector.multi_reduction <add>, %mul3A_218, %reduce_sum3A_219 [1] : vector<128x16xf32> to vector<128xf32>
    %broadcast_in_dim3A_221 = vector.shape_cast %reduce_sum3A_220 : vector<128xf32> to vector<128x1xf32>
    %convert_element_type3A_222 = arith.fptosi %broadcast_in_dim3A_221 : vector<128x1xf32> to vector<128x1xi32>
    %swap3A_223 = arith.constant 768 : index
    %swap3A_224 = arith.constant 0 : index
    %swap3A_225 = vector.load %arg2[%swap3A_223, %swap3A_224] : memref<4096x1xi32, #tpu.memory_space<vmem>>, vector<128x1xi32>
    tpu.vector_store %arg2[%swap3A_223, %swap3A_224], %convert_element_type3A_222 {strides = array<i32>} : memref<4096x1xi32, #tpu.memory_space<vmem>>, vector<128x1xi32>,
    %reduce_sum3A_226 = arith.constant dense<0.000000e+00> : vector<16xf32>
    %reduce_sum3A_227 = vector.multi_reduction <add>, %slice3A_211, %reduce_sum3A_226 [0] : vector<128x16xf32> to vector<16xf32>
    %broadcast_in_dim3A_228 = vector.shape_cast %reduce_sum3A_227 : vector<16xf32> to vector<1x16xf32>
    %add3A_229 = arith.addf %add3A_210, %broadcast_in_dim3A_228 : vector<1x16xf32>
    %slice3A_230 = vector.extract_strided_slice %concatenate3A {offsets = [896, 0], sizes = [128, 16], strides = [1, 1]} : vector<4096x16xf32> to vector<128x16xf32>
    %dot_general3A_231 = arith.constant dense<0.000000e+00> : vector<128x16xf32>
    %dot_general3A_232 = tpu.matmul %convert_element_type3A_96, %slice3A_230, %dot_general3A_231 {dimension_numbers = #tpu.dot_dimension_numbers<[1], [0], [0], [1], [0, 0, 1, 1], [], []>, transpose_lhs_hint = false} : vector<128x128xf32>, vector<128x16xf32>, vector<128x16xf32> -> vector<128x16xf32>
    %add3A_233 = vector.broadcast %add3A_229 : vector<1x16xf32> to vector<128x16xf32>
    %add3A_234 = arith.addf %dot_general3A_232, %add3A_233 : vector<128x16xf32>
    %add3A_235 = vector.broadcast %convert_element_type3A_92 : vector<1x16xf32> to vector<128x16xf32>
    %add3A_236 = arith.addf %add3A_234, %add3A_235 : vector<128x16xf32>
    %mul3A_237 = arith.mulf %add3A_236, %slice3A_230 : vector<128x16xf32>
    %reduce_sum3A_238 = arith.constant dense<0.000000e+00> : vector<128xf32>
    %reduce_sum3A_239 = vector.multi_reduction <add>, %mul3A_237, %reduce_sum3A_238 [1] : vector<128x16xf32> to vector<128xf32>
    %broadcast_in_dim3A_240 = vector.shape_cast %reduce_sum3A_239 : vector<128xf32> to vector<128x1xf32>
    %convert_element_type3A_241 = arith.fptosi %broadcast_in_dim3A_240 : vector<128x1xf32> to vector<128x1xi32>
    %swap3A_242 = arith.constant 896 : index
    %swap3A_243 = arith.constant 0 : index
    %swap3A_244 = vector.load %arg2[%swap3A_242, %swap3A_243] : memref<4096x1xi32, #tpu.memory_space<vmem>>, vector<128x1xi32>
    tpu.vector_store %arg2[%swap3A_242, %swap3A_243], %convert_element_type3A_241 {strides = array<i32>} : memref<4096x1xi32, #tpu.memory_space<vmem>>, vector<128x1xi32>,
    %reduce_sum3A_245 = arith.constant dense<0.000000e+00> : vector<16xf32>
    %reduce_sum3A_246 = vector.multi_reduction <add>, %slice3A_230, %reduce_sum3A_245 [0] : vector<128x16xf32> to vector<16xf32>
    %broadcast_in_dim3A_247 = vector.shape_cast %reduce_sum3A_246 : vector<16xf32> to vector<1x16xf32>
    %add3A_248 = arith.addf %add3A_229, %broadcast_in_dim3A_247 : vector<1x16xf32>
    %slice3A_249 = vector.extract_strided_slice %concatenate3A {offsets = [1024, 0], sizes = [128, 16], strides = [1, 1]} : vector<4096x16xf32> to vector<128x16xf32>
    %dot_general3A_250 = arith.constant dense<0.000000e+00> : vector<128x16xf32>
    %dot_general3A_251 = tpu.matmul %convert_element_type3A_96, %slice3A_249, %dot_general3A_250 {dimension_numbers = #tpu.dot_dimension_numbers<[1], [0], [0], [1], [0, 0, 1, 1], [], []>, transpose_lhs_hint = false} : vector<128x128xf32>, vector<128x16xf32>, vector<128x16xf32> -> vector<128x16xf32>
    %add3A_252 = vector.broadcast %add3A_248 : vector<1x16xf32> to vector<128x16xf32>
    %add3A_253 = arith.addf %dot_general3A_251, %add3A_252 : vector<128x16xf32>
    %add3A_254 = vector.broadcast %convert_element_type3A_92 : vector<1x16xf32> to vector<128x16xf32>
    %add3A_255 = arith.addf %add3A_253, %add3A_254 : vector<128x16xf32>
    %mul3A_256 = arith.mulf %add3A_255, %slice3A_249 : vector<128x16xf32>
    %reduce_sum3A_257 = arith.constant dense<0.000000e+00> : vector<128xf32>
    %reduce_sum3A_258 = vector.multi_reduction <add>, %mul3A_256, %reduce_sum3A_257 [1] : vector<128x16xf32> to vector<128xf32>
    %broadcast_in_dim3A_259 = vector.shape_cast %reduce_sum3A_258 : vector<128xf32> to vector<128x1xf32>
    %convert_element_type3A_260 = arith.fptosi %broadcast_in_dim3A_259 : vector<128x1xf32> to vector<128x1xi32>
    %swap3A_261 = arith.constant 1024 : index
    %swap3A_262 = arith.constant 0 : index
    %swap3A_263 = vector.load %arg2[%swap3A_261, %swap3A_262] : memref<4096x1xi32, #tpu.memory_space<vmem>>, vector<128x1xi32>
    tpu.vector_store %arg2[%swap3A_261, %swap3A_262], %convert_element_type3A_260 {strides = array<i32>} : memref<4096x1xi32, #tpu.memory_space<vmem>>, vector<128x1xi32>,
    %reduce_sum3A_264 = arith.constant dense<0.000000e+00> : vector<16xf32>
    %reduce_sum3A_265 = vector.multi_reduction <add>, %slice3A_249, %reduce_sum3A_264 [0] : vector<128x16xf32> to vector<16xf32>
    %broadcast_in_dim3A_266 = vector.shape_cast %reduce_sum3A_265 : vector<16xf32> to vector<1x16xf32>
    %add3A_267 = arith.addf %add3A_248, %broadcast_in_dim3A_266 : vector<1x16xf32>
    %slice3A_268 = vector.extract_strided_slice %concatenate3A {offsets = [1152, 0], sizes = [128, 16], strides = [1, 1]} : vector<4096x16xf32> to vector<128x16xf32>
    %dot_general3A_269 = arith.constant dense<0.000000e+00> : vector<128x16xf32>
    %dot_general3A_270 = tpu.matmul %convert_element_type3A_96, %slice3A_268, %dot_general3A_269 {dimension_numbers = #tpu.dot_dimension_numbers<[1], [0], [0], [1], [0, 0, 1, 1], [], []>, transpose_lhs_hint = false} : vector<128x128xf32>, vector<128x16xf32>, vector<128x16xf32> -> vector<128x16xf32>
    %add3A_271 = vector.broadcast %add3A_267 : vector<1x16xf32> to vector<128x16xf32>
    %add3A_272 = arith.addf %dot_general3A_270, %add3A_271 : vector<128x16xf32>
    %add3A_273 = vector.broadcast %convert_element_type3A_92 : vector<1x16xf32> to vector<128x16xf32>
    %add3A_274 = arith.addf %add3A_272, %add3A_273 : vector<128x16xf32>
    %mul3A_275 = arith.mulf %add3A_274, %slice3A_268 : vector<128x16xf32>
    %reduce_sum3A_276 = arith.constant dense<0.000000e+00> : vector<128xf32>
    %reduce_sum3A_277 = vector.multi_reduction <add>, %mul3A_275, %reduce_sum3A_276 [1] : vector<128x16xf32> to vector<128xf32>
    %broadcast_in_dim3A_278 = vector.shape_cast %reduce_sum3A_277 : vector<128xf32> to vector<128x1xf32>
    %convert_element_type3A_279 = arith.fptosi %broadcast_in_dim3A_278 : vector<128x1xf32> to vector<128x1xi32>
    %swap3A_280 = arith.constant 1152 : index
    %swap3A_281 = arith.constant 0 : index
    %swap3A_282 = vector.load %arg2[%swap3A_280, %swap3A_281] : memref<4096x1xi32, #tpu.memory_space<vmem>>, vector<128x1xi32>
    tpu.vector_store %arg2[%swap3A_280, %swap3A_281], %convert_element_type3A_279 {strides = array<i32>} : memref<4096x1xi32, #tpu.memory_space<vmem>>, vector<128x1xi32>,
    %reduce_sum3A_283 = arith.constant dense<0.000000e+00> : vector<16xf32>
    %reduce_sum3A_284 = vector.multi_reduction <add>, %slice3A_268, %reduce_sum3A_283 [0] : vector<128x16xf32> to vector<16xf32>
    %broadcast_in_dim3A_285 = vector.shape_cast %reduce_sum3A_284 : vector<16xf32> to vector<1x16xf32>
    %add3A_286 = arith.addf %add3A_267, %broadcast_in_dim3A_285 : vector<1x16xf32>
    %slice3A_287 = vector.extract_strided_slice %concatenate3A {offsets = [1280, 0], sizes = [128, 16], strides = [1, 1]} : vector<4096x16xf32> to vector<128x16xf32>
    %dot_general3A_288 = arith.constant dense<0.000000e+00> : vector<128x16xf32>
    %dot_general3A_289 = tpu.matmul %convert_element_type3A_96, %slice3A_287, %dot_general3A_288 {dimension_numbers = #tpu.dot_dimension_numbers<[1], [0], [0], [1], [0, 0, 1, 1], [], []>, transpose_lhs_hint = false} : vector<128x128xf32>, vector<128x16xf32>, vector<128x16xf32> -> vector<128x16xf32>
    %add3A_290 = vector.broadcast %add3A_286 : vector<1x16xf32> to vector<128x16xf32>
    %add3A_291 = arith.addf %dot_general3A_289, %add3A_290 : vector<128x16xf32>
    %add3A_292 = vector.broadcast %convert_element_type3A_92 : vector<1x16xf32> to vector<128x16xf32>
    %add3A_293 = arith.addf %add3A_291, %add3A_292 : vector<128x16xf32>
    %mul3A_294 = arith.mulf %add3A_293, %slice3A_287 : vector<128x16xf32>
    %reduce_sum3A_295 = arith.constant dense<0.000000e+00> : vector<128xf32>
    %reduce_sum3A_296 = vector.multi_reduction <add>, %mul3A_294, %reduce_sum3A_295 [1] : vector<128x16xf32> to vector<128xf32>
    %broadcast_in_dim3A_297 = vector.shape_cast %reduce_sum3A_296 : vector<128xf32> to vector<128x1xf32>
    %convert_element_type3A_298 = arith.fptosi %broadcast_in_dim3A_297 : vector<128x1xf32> to vector<128x1xi32>
    %swap3A_299 = arith.constant 1280 : index
    %swap3A_300 = arith.constant 0 : index
    %swap3A_301 = vector.load %arg2[%swap3A_299, %swap3A_300] : memref<4096x1xi32, #tpu.memory_space<vmem>>, vector<128x1xi32>
    tpu.vector_store %arg2[%swap3A_299, %swap3A_300], %convert_element_type3A_298 {strides = array<i32>} : memref<4096x1xi32, #tpu.memory_space<vmem>>, vector<128x1xi32>,
    %reduce_sum3A_302 = arith.constant dense<0.000000e+00> : vector<16xf32>
    %reduce_sum3A_303 = vector.multi_reduction <add>, %slice3A_287, %reduce_sum3A_302 [0] : vector<128x16xf32> to vector<16xf32>
    %broadcast_in_dim3A_304 = vector.shape_cast %reduce_sum3A_303 : vector<16xf32> to vector<1x16xf32>
    %add3A_305 = arith.addf %add3A_286, %broadcast_in_dim3A_304 : vector<1x16xf32>
    %slice3A_306 = vector.extract_strided_slice %concatenate3A {offsets = [1408, 0], sizes = [128, 16], strides = [1, 1]} : vector<4096x16xf32> to vector<128x16xf32>
    %dot_general3A_307 = arith.constant dense<0.000000e+00> : vector<128x16xf32>
    %dot_general3A_308 = tpu.matmul %convert_element_type3A_96, %slice3A_306, %dot_general3A_307 {dimension_numbers = #tpu.dot_dimension_numbers<[1], [0], [0], [1], [0, 0, 1, 1], [], []>, transpose_lhs_hint = false} : vector<128x128xf32>, vector<128x16xf32>, vector<128x16xf32> -> vector<128x16xf32>
    %add3A_309 = vector.broadcast %add3A_305 : vector<1x16xf32> to vector<128x16xf32>
    %add3A_310 = arith.addf %dot_general3A_308, %add3A_309 : vector<128x16xf32>
    %add3A_311 = vector.broadcast %convert_element_type3A_92 : vector<1x16xf32> to vector<128x16xf32>
    %add3A_312 = arith.addf %add3A_310, %add3A_311 : vector<128x16xf32>
    %mul3A_313 = arith.mulf %add3A_312, %slice3A_306 : vector<128x16xf32>
    %reduce_sum3A_314 = arith.constant dense<0.000000e+00> : vector<128xf32>
    %reduce_sum3A_315 = vector.multi_reduction <add>, %mul3A_313, %reduce_sum3A_314 [1] : vector<128x16xf32> to vector<128xf32>
    %broadcast_in_dim3A_316 = vector.shape_cast %reduce_sum3A_315 : vector<128xf32> to vector<128x1xf32>
    %convert_element_type3A_317 = arith.fptosi %broadcast_in_dim3A_316 : vector<128x1xf32> to vector<128x1xi32>
    %swap3A_318 = arith.constant 1408 : index
    %swap3A_319 = arith.constant 0 : index
    %swap3A_320 = vector.load %arg2[%swap3A_318, %swap3A_319] : memref<4096x1xi32, #tpu.memory_space<vmem>>, vector<128x1xi32>
    tpu.vector_store %arg2[%swap3A_318, %swap3A_319], %convert_element_type3A_317 {strides = array<i32>} : memref<4096x1xi32, #tpu.memory_space<vmem>>, vector<128x1xi32>,
    %reduce_sum3A_321 = arith.constant dense<0.000000e+00> : vector<16xf32>
    %reduce_sum3A_322 = vector.multi_reduction <add>, %slice3A_306, %reduce_sum3A_321 [0] : vector<128x16xf32> to vector<16xf32>
    %broadcast_in_dim3A_323 = vector.shape_cast %reduce_sum3A_322 : vector<16xf32> to vector<1x16xf32>
    %add3A_324 = arith.addf %add3A_305, %broadcast_in_dim3A_323 : vector<1x16xf32>
    %slice3A_325 = vector.extract_strided_slice %concatenate3A {offsets = [1536, 0], sizes = [128, 16], strides = [1, 1]} : vector<4096x16xf32> to vector<128x16xf32>
    %dot_general3A_326 = arith.constant dense<0.000000e+00> : vector<128x16xf32>
    %dot_general3A_327 = tpu.matmul %convert_element_type3A_96, %slice3A_325, %dot_general3A_326 {dimension_numbers = #tpu.dot_dimension_numbers<[1], [0], [0], [1], [0, 0, 1, 1], [], []>, transpose_lhs_hint = false} : vector<128x128xf32>, vector<128x16xf32>, vector<128x16xf32> -> vector<128x16xf32>
    %add3A_328 = vector.broadcast %add3A_324 : vector<1x16xf32> to vector<128x16xf32>
    %add3A_329 = arith.addf %dot_general3A_327, %add3A_328 : vector<128x16xf32>
    %add3A_330 = vector.broadcast %convert_element_type3A_92 : vector<1x16xf32> to vector<128x16xf32>
    %add3A_331 = arith.addf %add3A_329, %add3A_330 : vector<128x16xf32>
    %mul3A_332 = arith.mulf %add3A_331, %slice3A_325 : vector<128x16xf32>
    %reduce_sum3A_333 = arith.constant dense<0.000000e+00> : vector<128xf32>
    %reduce_sum3A_334 = vector.multi_reduction <add>, %mul3A_332, %reduce_sum3A_333 [1] : vector<128x16xf32> to vector<128xf32>
    %broadcast_in_dim3A_335 = vector.shape_cast %reduce_sum3A_334 : vector<128xf32> to vector<128x1xf32>
    %convert_element_type3A_336 = arith.fptosi %broadcast_in_dim3A_335 : vector<128x1xf32> to vector<128x1xi32>
    %swap3A_337 = arith.constant 1536 : index
    %swap3A_338 = arith.constant 0 : index
    %swap3A_339 = vector.load %arg2[%swap3A_337, %swap3A_338] : memref<4096x1xi32, #tpu.memory_space<vmem>>, vector<128x1xi32>
    tpu.vector_store %arg2[%swap3A_337, %swap3A_338], %convert_element_type3A_336 {strides = array<i32>} : memref<4096x1xi32, #tpu.memory_space<vmem>>, vector<128x1xi32>,
    %reduce_sum3A_340 = arith.constant dense<0.000000e+00> : vector<16xf32>
    %reduce_sum3A_341 = vector.multi_reduction <add>, %slice3A_325, %reduce_sum3A_340 [0] : vector<128x16xf32> to vector<16xf32>
    %broadcast_in_dim3A_342 = vector.shape_cast %reduce_sum3A_341 : vector<16xf32> to vector<1x16xf32>
    %add3A_343 = arith.addf %add3A_324, %broadcast_in_dim3A_342 : vector<1x16xf32>
    %slice3A_344 = vector.extract_strided_slice %concatenate3A {offsets = [1664, 0], sizes = [128, 16], strides = [1, 1]} : vector<4096x16xf32> to vector<128x16xf32>
    %dot_general3A_345 = arith.constant dense<0.000000e+00> : vector<128x16xf32>
    %dot_general3A_346 = tpu.matmul %convert_element_type3A_96, %slice3A_344, %dot_general3A_345 {dimension_numbers = #tpu.dot_dimension_numbers<[1], [0], [0], [1], [0, 0, 1, 1], [], []>, transpose_lhs_hint = false} : vector<128x128xf32>, vector<128x16xf32>, vector<128x16xf32> -> vector<128x16xf32>
    %add3A_347 = vector.broadcast %add3A_343 : vector<1x16xf32> to vector<128x16xf32>
    %add3A_348 = arith.addf %dot_general3A_346, %add3A_347 : vector<128x16xf32>
    %add3A_349 = vector.broadcast %convert_element_type3A_92 : vector<1x16xf32> to vector<128x16xf32>
    %add3A_350 = arith.addf %add3A_348, %add3A_349 : vector<128x16xf32>
    %mul3A_351 = arith.mulf %add3A_350, %slice3A_344 : vector<128x16xf32>
    %reduce_sum3A_352 = arith.constant dense<0.000000e+00> : vector<128xf32>
    %reduce_sum3A_353 = vector.multi_reduction <add>, %mul3A_351, %reduce_sum3A_352 [1] : vector<128x16xf32> to vector<128xf32>
    %broadcast_in_dim3A_354 = vector.shape_cast %reduce_sum3A_353 : vector<128xf32> to vector<128x1xf32>
    %convert_element_type3A_355 = arith.fptosi %broadcast_in_dim3A_354 : vector<128x1xf32> to vector<128x1xi32>
    %swap3A_356 = arith.constant 1664 : index
    %swap3A_357 = arith.constant 0 : index
    %swap3A_358 = vector.load %arg2[%swap3A_356, %swap3A_357] : memref<4096x1xi32, #tpu.memory_space<vmem>>, vector<128x1xi32>
    tpu.vector_store %arg2[%swap3A_356, %swap3A_357], %convert_element_type3A_355 {strides = array<i32>} : memref<4096x1xi32, #tpu.memory_space<vmem>>, vector<128x1xi32>,
    %reduce_sum3A_359 = arith.constant dense<0.000000e+00> : vector<16xf32>
    %reduce_sum3A_360 = vector.multi_reduction <add>, %slice3A_344, %reduce_sum3A_359 [0] : vector<128x16xf32> to vector<16xf32>
    %broadcast_in_dim3A_361 = vector.shape_cast %reduce_sum3A_360 : vector<16xf32> to vector<1x16xf32>
    %add3A_362 = arith.addf %add3A_343, %broadcast_in_dim3A_361 : vector<1x16xf32>
    %slice3A_363 = vector.extract_strided_slice %concatenate3A {offsets = [1792, 0], sizes = [128, 16], strides = [1, 1]} : vector<4096x16xf32> to vector<128x16xf32>
    %dot_general3A_364 = arith.constant dense<0.000000e+00> : vector<128x16xf32>
    %dot_general3A_365 = tpu.matmul %convert_element_type3A_96, %slice3A_363, %dot_general3A_364 {dimension_numbers = #tpu.dot_dimension_numbers<[1], [0], [0], [1], [0, 0, 1, 1], [], []>, transpose_lhs_hint = false} : vector<128x128xf32>, vector<128x16xf32>, vector<128x16xf32> -> vector<128x16xf32>
    %add3A_366 = vector.broadcast %add3A_362 : vector<1x16xf32> to vector<128x16xf32>
    %add3A_367 = arith.addf %dot_general3A_365, %add3A_366 : vector<128x16xf32>
    %add3A_368 = vector.broadcast %convert_element_type3A_92 : vector<1x16xf32> to vector<128x16xf32>
    %add3A_369 = arith.addf %add3A_367, %add3A_368 : vector<128x16xf32>
    %mul3A_370 = arith.mulf %add3A_369, %slice3A_363 : vector<128x16xf32>
    %reduce_sum3A_371 = arith.constant dense<0.000000e+00> : vector<128xf32>
    %reduce_sum3A_372 = vector.multi_reduction <add>, %mul3A_370, %reduce_sum3A_371 [1] : vector<128x16xf32> to vector<128xf32>
    %broadcast_in_dim3A_373 = vector.shape_cast %reduce_sum3A_372 : vector<128xf32> to vector<128x1xf32>
    %convert_element_type3A_374 = arith.fptosi %broadcast_in_dim3A_373 : vector<128x1xf32> to vector<128x1xi32>
    %swap3A_375 = arith.constant 1792 : index
    %swap3A_376 = arith.constant 0 : index
    %swap3A_377 = vector.load %arg2[%swap3A_375, %swap3A_376] : memref<4096x1xi32, #tpu.memory_space<vmem>>, vector<128x1xi32>
    tpu.vector_store %arg2[%swap3A_375, %swap3A_376], %convert_element_type3A_374 {strides = array<i32>} : memref<4096x1xi32, #tpu.memory_space<vmem>>, vector<128x1xi32>,
    %reduce_sum3A_378 = arith.constant dense<0.000000e+00> : vector<16xf32>
    %reduce_sum3A_379 = vector.multi_reduction <add>, %slice3A_363, %reduce_sum3A_378 [0] : vector<128x16xf32> to vector<16xf32>
    %broadcast_in_dim3A_380 = vector.shape_cast %reduce_sum3A_379 : vector<16xf32> to vector<1x16xf32>
    %add3A_381 = arith.addf %add3A_362, %broadcast_in_dim3A_380 : vector<1x16xf32>
    %slice3A_382 = vector.extract_strided_slice %concatenate3A {offsets = [1920, 0], sizes = [128, 16], strides = [1, 1]} : vector<4096x16xf32> to vector<128x16xf32>
    %dot_general3A_383 = arith.constant dense<0.000000e+00> : vector<128x16xf32>
    %dot_general3A_384 = tpu.matmul %convert_element_type3A_96, %slice3A_382, %dot_general3A_383 {dimension_numbers = #tpu.dot_dimension_numbers<[1], [0], [0], [1], [0, 0, 1, 1], [], []>, transpose_lhs_hint = false} : vector<128x128xf32>, vector<128x16xf32>, vector<128x16xf32> -> vector<128x16xf32>
    %add3A_385 = vector.broadcast %add3A_381 : vector<1x16xf32> to vector<128x16xf32>
    %add3A_386 = arith.addf %dot_general3A_384, %add3A_385 : vector<128x16xf32>
    %add3A_387 = vector.broadcast %convert_element_type3A_92 : vector<1x16xf32> to vector<128x16xf32>
    %add3A_388 = arith.addf %add3A_386, %add3A_387 : vector<128x16xf32>
    %mul3A_389 = arith.mulf %add3A_388, %slice3A_382 : vector<128x16xf32>
    %reduce_sum3A_390 = arith.constant dense<0.000000e+00> : vector<128xf32>
    %reduce_sum3A_391 = vector.multi_reduction <add>, %mul3A_389, %reduce_sum3A_390 [1] : vector<128x16xf32> to vector<128xf32>
    %broadcast_in_dim3A_392 = vector.shape_cast %reduce_sum3A_391 : vector<128xf32> to vector<128x1xf32>
    %convert_element_type3A_393 = arith.fptosi %broadcast_in_dim3A_392 : vector<128x1xf32> to vector<128x1xi32>
    %swap3A_394 = arith.constant 1920 : index
    %swap3A_395 = arith.constant 0 : index
    %swap3A_396 = vector.load %arg2[%swap3A_394, %swap3A_395] : memref<4096x1xi32, #tpu.memory_space<vmem>>, vector<128x1xi32>
    tpu.vector_store %arg2[%swap3A_394, %swap3A_395], %convert_element_type3A_393 {strides = array<i32>} : memref<4096x1xi32, #tpu.memory_space<vmem>>, vector<128x1xi32>,
    %reduce_sum3A_397 = arith.constant dense<0.000000e+00> : vector<16xf32>
    %reduce_sum3A_398 = vector.multi_reduction <add>, %slice3A_382, %reduce_sum3A_397 [0] : vector<128x16xf32> to vector<16xf32>
    %broadcast_in_dim3A_399 = vector.shape_cast %reduce_sum3A_398 : vector<16xf32> to vector<1x16xf32>
    %add3A_400 = arith.addf %add3A_381, %broadcast_in_dim3A_399 : vector<1x16xf32>
    %slice3A_401 = vector.extract_strided_slice %concatenate3A {offsets = [2048, 0], sizes = [128, 16], strides = [1, 1]} : vector<4096x16xf32> to vector<128x16xf32>
    %dot_general3A_402 = arith.constant dense<0.000000e+00> : vector<128x16xf32>
    %dot_general3A_403 = tpu.matmul %convert_element_type3A_96, %slice3A_401, %dot_general3A_402 {dimension_numbers = #tpu.dot_dimension_numbers<[1], [0], [0], [1], [0, 0, 1, 1], [], []>, transpose_lhs_hint = false} : vector<128x128xf32>, vector<128x16xf32>, vector<128x16xf32> -> vector<128x16xf32>
    %add3A_404 = vector.broadcast %add3A_400 : vector<1x16xf32> to vector<128x16xf32>
    %add3A_405 = arith.addf %dot_general3A_403, %add3A_404 : vector<128x16xf32>
    %add3A_406 = vector.broadcast %convert_element_type3A_92 : vector<1x16xf32> to vector<128x16xf32>
    %add3A_407 = arith.addf %add3A_405, %add3A_406 : vector<128x16xf32>
    %mul3A_408 = arith.mulf %add3A_407, %slice3A_401 : vector<128x16xf32>
    %reduce_sum3A_409 = arith.constant dense<0.000000e+00> : vector<128xf32>
    %reduce_sum3A_410 = vector.multi_reduction <add>, %mul3A_408, %reduce_sum3A_409 [1] : vector<128x16xf32> to vector<128xf32>
    %broadcast_in_dim3A_411 = vector.shape_cast %reduce_sum3A_410 : vector<128xf32> to vector<128x1xf32>
    %convert_element_type3A_412 = arith.fptosi %broadcast_in_dim3A_411 : vector<128x1xf32> to vector<128x1xi32>
    %swap3A_413 = arith.constant 2048 : index
    %swap3A_414 = arith.constant 0 : index
    %swap3A_415 = vector.load %arg2[%swap3A_413, %swap3A_414] : memref<4096x1xi32, #tpu.memory_space<vmem>>, vector<128x1xi32>
    tpu.vector_store %arg2[%swap3A_413, %swap3A_414], %convert_element_type3A_412 {strides = array<i32>} : memref<4096x1xi32, #tpu.memory_space<vmem>>, vector<128x1xi32>,
    %reduce_sum3A_416 = arith.constant dense<0.000000e+00> : vector<16xf32>
    %reduce_sum3A_417 = vector.multi_reduction <add>, %slice3A_401, %reduce_sum3A_416 [0] : vector<128x16xf32> to vector<16xf32>
    %broadcast_in_dim3A_418 = vector.shape_cast %reduce_sum3A_417 : vector<16xf32> to vector<1x16xf32>
    %add3A_419 = arith.addf %add3A_400, %broadcast_in_dim3A_418 : vector<1x16xf32>
    %slice3A_420 = vector.extract_strided_slice %concatenate3A {offsets = [2176, 0], sizes = [128, 16], strides = [1, 1]} : vector<4096x16xf32> to vector<128x16xf32>
    %dot_general3A_421 = arith.constant dense<0.000000e+00> : vector<128x16xf32>
    %dot_general3A_422 = tpu.matmul %convert_element_type3A_96, %slice3A_420, %dot_general3A_421 {dimension_numbers = #tpu.dot_dimension_numbers<[1], [0], [0], [1], [0, 0, 1, 1], [], []>, transpose_lhs_hint = false} : vector<128x128xf32>, vector<128x16xf32>, vector<128x16xf32> -> vector<128x16xf32>
    %add3A_423 = vector.broadcast %add3A_419 : vector<1x16xf32> to vector<128x16xf32>
    %add3A_424 = arith.addf %dot_general3A_422, %add3A_423 : vector<128x16xf32>
    %add3A_425 = vector.broadcast %convert_element_type3A_92 : vector<1x16xf32> to vector<128x16xf32>
    %add3A_426 = arith.addf %add3A_424, %add3A_425 : vector<128x16xf32>
    %mul3A_427 = arith.mulf %add3A_426, %slice3A_420 : vector<128x16xf32>
    %reduce_sum3A_428 = arith.constant dense<0.000000e+00> : vector<128xf32>
    %reduce_sum3A_429 = vector.multi_reduction <add>, %mul3A_427, %reduce_sum3A_428 [1] : vector<128x16xf32> to vector<128xf32>
    %broadcast_in_dim3A_430 = vector.shape_cast %reduce_sum3A_429 : vector<128xf32> to vector<128x1xf32>
    %convert_element_type3A_431 = arith.fptosi %broadcast_in_dim3A_430 : vector<128x1xf32> to vector<128x1xi32>
    %swap3A_432 = arith.constant 2176 : index
    %swap3A_433 = arith.constant 0 : index
    %swap3A_434 = vector.load %arg2[%swap3A_432, %swap3A_433] : memref<4096x1xi32, #tpu.memory_space<vmem>>, vector<128x1xi32>
    tpu.vector_store %arg2[%swap3A_432, %swap3A_433], %convert_element_type3A_431 {strides = array<i32>} : memref<4096x1xi32, #tpu.memory_space<vmem>>, vector<128x1xi32>,
    %reduce_sum3A_435 = arith.constant dense<0.000000e+00> : vector<16xf32>
    %reduce_sum3A_436 = vector.multi_reduction <add>, %slice3A_420, %reduce_sum3A_435 [0] : vector<128x16xf32> to vector<16xf32>
    %broadcast_in_dim3A_437 = vector.shape_cast %reduce_sum3A_436 : vector<16xf32> to vector<1x16xf32>
    %add3A_438 = arith.addf %add3A_419, %broadcast_in_dim3A_437 : vector<1x16xf32>
    %slice3A_439 = vector.extract_strided_slice %concatenate3A {offsets = [2304, 0], sizes = [128, 16], strides = [1, 1]} : vector<4096x16xf32> to vector<128x16xf32>
    %dot_general3A_440 = arith.constant dense<0.000000e+00> : vector<128x16xf32>
    %dot_general3A_441 = tpu.matmul %convert_element_type3A_96, %slice3A_439, %dot_general3A_440 {dimension_numbers = #tpu.dot_dimension_numbers<[1], [0], [0], [1], [0, 0, 1, 1], [], []>, transpose_lhs_hint = false} : vector<128x128xf32>, vector<128x16xf32>, vector<128x16xf32> -> vector<128x16xf32>
    %add3A_442 = vector.broadcast %add3A_438 : vector<1x16xf32> to vector<128x16xf32>
    %add3A_443 = arith.addf %dot_general3A_441, %add3A_442 : vector<128x16xf32>
    %add3A_444 = vector.broadcast %convert_element_type3A_92 : vector<1x16xf32> to vector<128x16xf32>
    %add3A_445 = arith.addf %add3A_443, %add3A_444 : vector<128x16xf32>
    %mul3A_446 = arith.mulf %add3A_445, %slice3A_439 : vector<128x16xf32>
    %reduce_sum3A_447 = arith.constant dense<0.000000e+00> : vector<128xf32>
    %reduce_sum3A_448 = vector.multi_reduction <add>, %mul3A_446, %reduce_sum3A_447 [1] : vector<128x16xf32> to vector<128xf32>
    %broadcast_in_dim3A_449 = vector.shape_cast %reduce_sum3A_448 : vector<128xf32> to vector<128x1xf32>
    %convert_element_type3A_450 = arith.fptosi %broadcast_in_dim3A_449 : vector<128x1xf32> to vector<128x1xi32>
    %swap3A_451 = arith.constant 2304 : index
    %swap3A_452 = arith.constant 0 : index
    %swap3A_453 = vector.load %arg2[%swap3A_451, %swap3A_452] : memref<4096x1xi32, #tpu.memory_space<vmem>>, vector<128x1xi32>
    tpu.vector_store %arg2[%swap3A_451, %swap3A_452], %convert_element_type3A_450 {strides = array<i32>} : memref<4096x1xi32, #tpu.memory_space<vmem>>, vector<128x1xi32>,
    %reduce_sum3A_454 = arith.constant dense<0.000000e+00> : vector<16xf32>
    %reduce_sum3A_455 = vector.multi_reduction <add>, %slice3A_439, %reduce_sum3A_454 [0] : vector<128x16xf32> to vector<16xf32>
    %broadcast_in_dim3A_456 = vector.shape_cast %reduce_sum3A_455 : vector<16xf32> to vector<1x16xf32>
    %add3A_457 = arith.addf %add3A_438, %broadcast_in_dim3A_456 : vector<1x16xf32>
    %slice3A_458 = vector.extract_strided_slice %concatenate3A {offsets = [2432, 0], sizes = [128, 16], strides = [1, 1]} : vector<4096x16xf32> to vector<128x16xf32>
    %dot_general3A_459 = arith.constant dense<0.000000e+00> : vector<128x16xf32>
    %dot_general3A_460 = tpu.matmul %convert_element_type3A_96, %slice3A_458, %dot_general3A_459 {dimension_numbers = #tpu.dot_dimension_numbers<[1], [0], [0], [1], [0, 0, 1, 1], [], []>, transpose_lhs_hint = false} : vector<128x128xf32>, vector<128x16xf32>, vector<128x16xf32> -> vector<128x16xf32>
    %add3A_461 = vector.broadcast %add3A_457 : vector<1x16xf32> to vector<128x16xf32>
    %add3A_462 = arith.addf %dot_general3A_460, %add3A_461 : vector<128x16xf32>
    %add3A_463 = vector.broadcast %convert_element_type3A_92 : vector<1x16xf32> to vector<128x16xf32>
    %add3A_464 = arith.addf %add3A_462, %add3A_463 : vector<128x16xf32>
    %mul3A_465 = arith.mulf %add3A_464, %slice3A_458 : vector<128x16xf32>
    %reduce_sum3A_466 = arith.constant dense<0.000000e+00> : vector<128xf32>
    %reduce_sum3A_467 = vector.multi_reduction <add>, %mul3A_465, %reduce_sum3A_466 [1] : vector<128x16xf32> to vector<128xf32>
    %broadcast_in_dim3A_468 = vector.shape_cast %reduce_sum3A_467 : vector<128xf32> to vector<128x1xf32>
    %convert_element_type3A_469 = arith.fptosi %broadcast_in_dim3A_468 : vector<128x1xf32> to vector<128x1xi32>
    %swap3A_470 = arith.constant 2432 : index
    %swap3A_471 = arith.constant 0 : index
    %swap3A_472 = vector.load %arg2[%swap3A_470, %swap3A_471] : memref<4096x1xi32, #tpu.memory_space<vmem>>, vector<128x1xi32>
    tpu.vector_store %arg2[%swap3A_470, %swap3A_471], %convert_element_type3A_469 {strides = array<i32>} : memref<4096x1xi32, #tpu.memory_space<vmem>>, vector<128x1xi32>,
    %reduce_sum3A_473 = arith.constant dense<0.000000e+00> : vector<16xf32>
    %reduce_sum3A_474 = vector.multi_reduction <add>, %slice3A_458, %reduce_sum3A_473 [0] : vector<128x16xf32> to vector<16xf32>
    %broadcast_in_dim3A_475 = vector.shape_cast %reduce_sum3A_474 : vector<16xf32> to vector<1x16xf32>
    %add3A_476 = arith.addf %add3A_457, %broadcast_in_dim3A_475 : vector<1x16xf32>
    %slice3A_477 = vector.extract_strided_slice %concatenate3A {offsets = [2560, 0], sizes = [128, 16], strides = [1, 1]} : vector<4096x16xf32> to vector<128x16xf32>
    %dot_general3A_478 = arith.constant dense<0.000000e+00> : vector<128x16xf32>
    %dot_general3A_479 = tpu.matmul %convert_element_type3A_96, %slice3A_477, %dot_general3A_478 {dimension_numbers = #tpu.dot_dimension_numbers<[1], [0], [0], [1], [0, 0, 1, 1], [], []>, transpose_lhs_hint = false} : vector<128x128xf32>, vector<128x16xf32>, vector<128x16xf32> -> vector<128x16xf32>
    %add3A_480 = vector.broadcast %add3A_476 : vector<1x16xf32> to vector<128x16xf32>
    %add3A_481 = arith.addf %dot_general3A_479, %add3A_480 : vector<128x16xf32>
    %add3A_482 = vector.broadcast %convert_element_type3A_92 : vector<1x16xf32> to vector<128x16xf32>
    %add3A_483 = arith.addf %add3A_481, %add3A_482 : vector<128x16xf32>
    %mul3A_484 = arith.mulf %add3A_483, %slice3A_477 : vector<128x16xf32>
    %reduce_sum3A_485 = arith.constant dense<0.000000e+00> : vector<128xf32>
    %reduce_sum3A_486 = vector.multi_reduction <add>, %mul3A_484, %reduce_sum3A_485 [1] : vector<128x16xf32> to vector<128xf32>
    %broadcast_in_dim3A_487 = vector.shape_cast %reduce_sum3A_486 : vector<128xf32> to vector<128x1xf32>
    %convert_element_type3A_488 = arith.fptosi %broadcast_in_dim3A_487 : vector<128x1xf32> to vector<128x1xi32>
    %swap3A_489 = arith.constant 2560 : index
    %swap3A_490 = arith.constant 0 : index
    %swap3A_491 = vector.load %arg2[%swap3A_489, %swap3A_490] : memref<4096x1xi32, #tpu.memory_space<vmem>>, vector<128x1xi32>
    tpu.vector_store %arg2[%swap3A_489, %swap3A_490], %convert_element_type3A_488 {strides = array<i32>} : memref<4096x1xi32, #tpu.memory_space<vmem>>, vector<128x1xi32>,
    %reduce_sum3A_492 = arith.constant dense<0.000000e+00> : vector<16xf32>
    %reduce_sum3A_493 = vector.multi_reduction <add>, %slice3A_477, %reduce_sum3A_492 [0] : vector<128x16xf32> to vector<16xf32>
    %broadcast_in_dim3A_494 = vector.shape_cast %reduce_sum3A_493 : vector<16xf32> to vector<1x16xf32>
    %add3A_495 = arith.addf %add3A_476, %broadcast_in_dim3A_494 : vector<1x16xf32>
    %slice3A_496 = vector.extract_strided_slice %concatenate3A {offsets = [2688, 0], sizes = [128, 16], strides = [1, 1]} : vector<4096x16xf32> to vector<128x16xf32>
    %dot_general3A_497 = arith.constant dense<0.000000e+00> : vector<128x16xf32>
    %dot_general3A_498 = tpu.matmul %convert_element_type3A_96, %slice3A_496, %dot_general3A_497 {dimension_numbers = #tpu.dot_dimension_numbers<[1], [0], [0], [1], [0, 0, 1, 1], [], []>, transpose_lhs_hint = false} : vector<128x128xf32>, vector<128x16xf32>, vector<128x16xf32> -> vector<128x16xf32>
    %add3A_499 = vector.broadcast %add3A_495 : vector<1x16xf32> to vector<128x16xf32>
    %add3A_500 = arith.addf %dot_general3A_498, %add3A_499 : vector<128x16xf32>
    %add3A_501 = vector.broadcast %convert_element_type3A_92 : vector<1x16xf32> to vector<128x16xf32>
    %add3A_502 = arith.addf %add3A_500, %add3A_501 : vector<128x16xf32>
    %mul3A_503 = arith.mulf %add3A_502, %slice3A_496 : vector<128x16xf32>
    %reduce_sum3A_504 = arith.constant dense<0.000000e+00> : vector<128xf32>
    %reduce_sum3A_505 = vector.multi_reduction <add>, %mul3A_503, %reduce_sum3A_504 [1] : vector<128x16xf32> to vector<128xf32>
    %broadcast_in_dim3A_506 = vector.shape_cast %reduce_sum3A_505 : vector<128xf32> to vector<128x1xf32>
    %convert_element_type3A_507 = arith.fptosi %broadcast_in_dim3A_506 : vector<128x1xf32> to vector<128x1xi32>
    %swap3A_508 = arith.constant 2688 : index
    %swap3A_509 = arith.constant 0 : index
    %swap3A_510 = vector.load %arg2[%swap3A_508, %swap3A_509] : memref<4096x1xi32, #tpu.memory_space<vmem>>, vector<128x1xi32>
    tpu.vector_store %arg2[%swap3A_508, %swap3A_509], %convert_element_type3A_507 {strides = array<i32>} : memref<4096x1xi32, #tpu.memory_space<vmem>>, vector<128x1xi32>,
    %reduce_sum3A_511 = arith.constant dense<0.000000e+00> : vector<16xf32>
    %reduce_sum3A_512 = vector.multi_reduction <add>, %slice3A_496, %reduce_sum3A_511 [0] : vector<128x16xf32> to vector<16xf32>
    %broadcast_in_dim3A_513 = vector.shape_cast %reduce_sum3A_512 : vector<16xf32> to vector<1x16xf32>
    %add3A_514 = arith.addf %add3A_495, %broadcast_in_dim3A_513 : vector<1x16xf32>
    %slice3A_515 = vector.extract_strided_slice %concatenate3A {offsets = [2816, 0], sizes = [128, 16], strides = [1, 1]} : vector<4096x16xf32> to vector<128x16xf32>
    %dot_general3A_516 = arith.constant dense<0.000000e+00> : vector<128x16xf32>
    %dot_general3A_517 = tpu.matmul %convert_element_type3A_96, %slice3A_515, %dot_general3A_516 {dimension_numbers = #tpu.dot_dimension_numbers<[1], [0], [0], [1], [0, 0, 1, 1], [], []>, transpose_lhs_hint = false} : vector<128x128xf32>, vector<128x16xf32>, vector<128x16xf32> -> vector<128x16xf32>
    %add3A_518 = vector.broadcast %add3A_514 : vector<1x16xf32> to vector<128x16xf32>
    %add3A_519 = arith.addf %dot_general3A_517, %add3A_518 : vector<128x16xf32>
    %add3A_520 = vector.broadcast %convert_element_type3A_92 : vector<1x16xf32> to vector<128x16xf32>
    %add3A_521 = arith.addf %add3A_519, %add3A_520 : vector<128x16xf32>
    %mul3A_522 = arith.mulf %add3A_521, %slice3A_515 : vector<128x16xf32>
    %reduce_sum3A_523 = arith.constant dense<0.000000e+00> : vector<128xf32>
    %reduce_sum3A_524 = vector.multi_reduction <add>, %mul3A_522, %reduce_sum3A_523 [1] : vector<128x16xf32> to vector<128xf32>
    %broadcast_in_dim3A_525 = vector.shape_cast %reduce_sum3A_524 : vector<128xf32> to vector<128x1xf32>
    %convert_element_type3A_526 = arith.fptosi %broadcast_in_dim3A_525 : vector<128x1xf32> to vector<128x1xi32>
    %swap3A_527 = arith.constant 2816 : index
    %swap3A_528 = arith.constant 0 : index
    %swap3A_529 = vector.load %arg2[%swap3A_527, %swap3A_528] : memref<4096x1xi32, #tpu.memory_space<vmem>>, vector<128x1xi32>
    tpu.vector_store %arg2[%swap3A_527, %swap3A_528], %convert_element_type3A_526 {strides = array<i32>} : memref<4096x1xi32, #tpu.memory_space<vmem>>, vector<128x1xi32>,
    %reduce_sum3A_530 = arith.constant dense<0.000000e+00> : vector<16xf32>
    %reduce_sum3A_531 = vector.multi_reduction <add>, %slice3A_515, %reduce_sum3A_530 [0] : vector<128x16xf32> to vector<16xf32>
    %broadcast_in_dim3A_532 = vector.shape_cast %reduce_sum3A_531 : vector<16xf32> to vector<1x16xf32>
    %add3A_533 = arith.addf %add3A_514, %broadcast_in_dim3A_532 : vector<1x16xf32>
    %slice3A_534 = vector.extract_strided_slice %concatenate3A {offsets = [2944, 0], sizes = [128, 16], strides = [1, 1]} : vector<4096x16xf32> to vector<128x16xf32>
    %dot_general3A_535 = arith.constant dense<0.000000e+00> : vector<128x16xf32>
    %dot_general3A_536 = tpu.matmul %convert_element_type3A_96, %slice3A_534, %dot_general3A_535 {dimension_numbers = #tpu.dot_dimension_numbers<[1], [0], [0], [1], [0, 0, 1, 1], [], []>, transpose_lhs_hint = false} : vector<128x128xf32>, vector<128x16xf32>, vector<128x16xf32> -> vector<128x16xf32>
    %add3A_537 = vector.broadcast %add3A_533 : vector<1x16xf32> to vector<128x16xf32>
    %add3A_538 = arith.addf %dot_general3A_536, %add3A_537 : vector<128x16xf32>
    %add3A_539 = vector.broadcast %convert_element_type3A_92 : vector<1x16xf32> to vector<128x16xf32>
    %add3A_540 = arith.addf %add3A_538, %add3A_539 : vector<128x16xf32>
    %mul3A_541 = arith.mulf %add3A_540, %slice3A_534 : vector<128x16xf32>
    %reduce_sum3A_542 = arith.constant dense<0.000000e+00> : vector<128xf32>
    %reduce_sum3A_543 = vector.multi_reduction <add>, %mul3A_541, %reduce_sum3A_542 [1] : vector<128x16xf32> to vector<128xf32>
    %broadcast_in_dim3A_544 = vector.shape_cast %reduce_sum3A_543 : vector<128xf32> to vector<128x1xf32>
    %convert_element_type3A_545 = arith.fptosi %broadcast_in_dim3A_544 : vector<128x1xf32> to vector<128x1xi32>
    %swap3A_546 = arith.constant 2944 : index
    %swap3A_547 = arith.constant 0 : index
    %swap3A_548 = vector.load %arg2[%swap3A_546, %swap3A_547] : memref<4096x1xi32, #tpu.memory_space<vmem>>, vector<128x1xi32>
    tpu.vector_store %arg2[%swap3A_546, %swap3A_547], %convert_element_type3A_545 {strides = array<i32>} : memref<4096x1xi32, #tpu.memory_space<vmem>>, vector<128x1xi32>,
    %reduce_sum3A_549 = arith.constant dense<0.000000e+00> : vector<16xf32>
    %reduce_sum3A_550 = vector.multi_reduction <add>, %slice3A_534, %reduce_sum3A_549 [0] : vector<128x16xf32> to vector<16xf32>
    %broadcast_in_dim3A_551 = vector.shape_cast %reduce_sum3A_550 : vector<16xf32> to vector<1x16xf32>
    %add3A_552 = arith.addf %add3A_533, %broadcast_in_dim3A_551 : vector<1x16xf32>
    %slice3A_553 = vector.extract_strided_slice %concatenate3A {offsets = [3072, 0], sizes = [128, 16], strides = [1, 1]} : vector<4096x16xf32> to vector<128x16xf32>
    %dot_general3A_554 = arith.constant dense<0.000000e+00> : vector<128x16xf32>
    %dot_general3A_555 = tpu.matmul %convert_element_type3A_96, %slice3A_553, %dot_general3A_554 {dimension_numbers = #tpu.dot_dimension_numbers<[1], [0], [0], [1], [0, 0, 1, 1], [], []>, transpose_lhs_hint = false} : vector<128x128xf32>, vector<128x16xf32>, vector<128x16xf32> -> vector<128x16xf32>
    %add3A_556 = vector.broadcast %add3A_552 : vector<1x16xf32> to vector<128x16xf32>
    %add3A_557 = arith.addf %dot_general3A_555, %add3A_556 : vector<128x16xf32>
    %add3A_558 = vector.broadcast %convert_element_type3A_92 : vector<1x16xf32> to vector<128x16xf32>
    %add3A_559 = arith.addf %add3A_557, %add3A_558 : vector<128x16xf32>
    %mul3A_560 = arith.mulf %add3A_559, %slice3A_553 : vector<128x16xf32>
    %reduce_sum3A_561 = arith.constant dense<0.000000e+00> : vector<128xf32>
    %reduce_sum3A_562 = vector.multi_reduction <add>, %mul3A_560, %reduce_sum3A_561 [1] : vector<128x16xf32> to vector<128xf32>
    %broadcast_in_dim3A_563 = vector.shape_cast %reduce_sum3A_562 : vector<128xf32> to vector<128x1xf32>
    %convert_element_type3A_564 = arith.fptosi %broadcast_in_dim3A_563 : vector<128x1xf32> to vector<128x1xi32>
    %swap3A_565 = arith.constant 3072 : index
    %swap3A_566 = arith.constant 0 : index
    %swap3A_567 = vector.load %arg2[%swap3A_565, %swap3A_566] : memref<4096x1xi32, #tpu.memory_space<vmem>>, vector<128x1xi32>
    tpu.vector_store %arg2[%swap3A_565, %swap3A_566], %convert_element_type3A_564 {strides = array<i32>} : memref<4096x1xi32, #tpu.memory_space<vmem>>, vector<128x1xi32>,
    %reduce_sum3A_568 = arith.constant dense<0.000000e+00> : vector<16xf32>
    %reduce_sum3A_569 = vector.multi_reduction <add>, %slice3A_553, %reduce_sum3A_568 [0] : vector<128x16xf32> to vector<16xf32>
    %broadcast_in_dim3A_570 = vector.shape_cast %reduce_sum3A_569 : vector<16xf32> to vector<1x16xf32>
    %add3A_571 = arith.addf %add3A_552, %broadcast_in_dim3A_570 : vector<1x16xf32>
    %slice3A_572 = vector.extract_strided_slice %concatenate3A {offsets = [3200, 0], sizes = [128, 16], strides = [1, 1]} : vector<4096x16xf32> to vector<128x16xf32>
    %dot_general3A_573 = arith.constant dense<0.000000e+00> : vector<128x16xf32>
    %dot_general3A_574 = tpu.matmul %convert_element_type3A_96, %slice3A_572, %dot_general3A_573 {dimension_numbers = #tpu.dot_dimension_numbers<[1], [0], [0], [1], [0, 0, 1, 1], [], []>, transpose_lhs_hint = false} : vector<128x128xf32>, vector<128x16xf32>, vector<128x16xf32> -> vector<128x16xf32>
    %add3A_575 = vector.broadcast %add3A_571 : vector<1x16xf32> to vector<128x16xf32>
    %add3A_576 = arith.addf %dot_general3A_574, %add3A_575 : vector<128x16xf32>
    %add3A_577 = vector.broadcast %convert_element_type3A_92 : vector<1x16xf32> to vector<128x16xf32>
    %add3A_578 = arith.addf %add3A_576, %add3A_577 : vector<128x16xf32>
    %mul3A_579 = arith.mulf %add3A_578, %slice3A_572 : vector<128x16xf32>
    %reduce_sum3A_580 = arith.constant dense<0.000000e+00> : vector<128xf32>
    %reduce_sum3A_581 = vector.multi_reduction <add>, %mul3A_579, %reduce_sum3A_580 [1] : vector<128x16xf32> to vector<128xf32>
    %broadcast_in_dim3A_582 = vector.shape_cast %reduce_sum3A_581 : vector<128xf32> to vector<128x1xf32>
    %convert_element_type3A_583 = arith.fptosi %broadcast_in_dim3A_582 : vector<128x1xf32> to vector<128x1xi32>
    %swap3A_584 = arith.constant 3200 : index
    %swap3A_585 = arith.constant 0 : index
    %swap3A_586 = vector.load %arg2[%swap3A_584, %swap3A_585] : memref<4096x1xi32, #tpu.memory_space<vmem>>, vector<128x1xi32>
    tpu.vector_store %arg2[%swap3A_584, %swap3A_585], %convert_element_type3A_583 {strides = array<i32>} : memref<4096x1xi32, #tpu.memory_space<vmem>>, vector<128x1xi32>,
    %reduce_sum3A_587 = arith.constant dense<0.000000e+00> : vector<16xf32>
    %reduce_sum3A_588 = vector.multi_reduction <add>, %slice3A_572, %reduce_sum3A_587 [0] : vector<128x16xf32> to vector<16xf32>
    %broadcast_in_dim3A_589 = vector.shape_cast %reduce_sum3A_588 : vector<16xf32> to vector<1x16xf32>
    %add3A_590 = arith.addf %add3A_571, %broadcast_in_dim3A_589 : vector<1x16xf32>
    %slice3A_591 = vector.extract_strided_slice %concatenate3A {offsets = [3328, 0], sizes = [128, 16], strides = [1, 1]} : vector<4096x16xf32> to vector<128x16xf32>
    %dot_general3A_592 = arith.constant dense<0.000000e+00> : vector<128x16xf32>
    %dot_general3A_593 = tpu.matmul %convert_element_type3A_96, %slice3A_591, %dot_general3A_592 {dimension_numbers = #tpu.dot_dimension_numbers<[1], [0], [0], [1], [0, 0, 1, 1], [], []>, transpose_lhs_hint = false} : vector<128x128xf32>, vector<128x16xf32>, vector<128x16xf32> -> vector<128x16xf32>
    %add3A_594 = vector.broadcast %add3A_590 : vector<1x16xf32> to vector<128x16xf32>
    %add3A_595 = arith.addf %dot_general3A_593, %add3A_594 : vector<128x16xf32>
    %add3A_596 = vector.broadcast %convert_element_type3A_92 : vector<1x16xf32> to vector<128x16xf32>
    %add3A_597 = arith.addf %add3A_595, %add3A_596 : vector<128x16xf32>
    %mul3A_598 = arith.mulf %add3A_597, %slice3A_591 : vector<128x16xf32>
    %reduce_sum3A_599 = arith.constant dense<0.000000e+00> : vector<128xf32>
    %reduce_sum3A_600 = vector.multi_reduction <add>, %mul3A_598, %reduce_sum3A_599 [1] : vector<128x16xf32> to vector<128xf32>
    %broadcast_in_dim3A_601 = vector.shape_cast %reduce_sum3A_600 : vector<128xf32> to vector<128x1xf32>
    %convert_element_type3A_602 = arith.fptosi %broadcast_in_dim3A_601 : vector<128x1xf32> to vector<128x1xi32>
    %swap3A_603 = arith.constant 3328 : index
    %swap3A_604 = arith.constant 0 : index
    %swap3A_605 = vector.load %arg2[%swap3A_603, %swap3A_604] : memref<4096x1xi32, #tpu.memory_space<vmem>>, vector<128x1xi32>
    tpu.vector_store %arg2[%swap3A_603, %swap3A_604], %convert_element_type3A_602 {strides = array<i32>} : memref<4096x1xi32, #tpu.memory_space<vmem>>, vector<128x1xi32>,
    %reduce_sum3A_606 = arith.constant dense<0.000000e+00> : vector<16xf32>
    %reduce_sum3A_607 = vector.multi_reduction <add>, %slice3A_591, %reduce_sum3A_606 [0] : vector<128x16xf32> to vector<16xf32>
    %broadcast_in_dim3A_608 = vector.shape_cast %reduce_sum3A_607 : vector<16xf32> to vector<1x16xf32>
    %add3A_609 = arith.addf %add3A_590, %broadcast_in_dim3A_608 : vector<1x16xf32>
    %slice3A_610 = vector.extract_strided_slice %concatenate3A {offsets = [3456, 0], sizes = [128, 16], strides = [1, 1]} : vector<4096x16xf32> to vector<128x16xf32>
    %dot_general3A_611 = arith.constant dense<0.000000e+00> : vector<128x16xf32>
    %dot_general3A_612 = tpu.matmul %convert_element_type3A_96, %slice3A_610, %dot_general3A_611 {dimension_numbers = #tpu.dot_dimension_numbers<[1], [0], [0], [1], [0, 0, 1, 1], [], []>, transpose_lhs_hint = false} : vector<128x128xf32>, vector<128x16xf32>, vector<128x16xf32> -> vector<128x16xf32>
    %add3A_613 = vector.broadcast %add3A_609 : vector<1x16xf32> to vector<128x16xf32>
    %add3A_614 = arith.addf %dot_general3A_612, %add3A_613 : vector<128x16xf32>
    %add3A_615 = vector.broadcast %convert_element_type3A_92 : vector<1x16xf32> to vector<128x16xf32>
    %add3A_616 = arith.addf %add3A_614, %add3A_615 : vector<128x16xf32>
    %mul3A_617 = arith.mulf %add3A_616, %slice3A_610 : vector<128x16xf32>
    %reduce_sum3A_618 = arith.constant dense<0.000000e+00> : vector<128xf32>
    %reduce_sum3A_619 = vector.multi_reduction <add>, %mul3A_617, %reduce_sum3A_618 [1] : vector<128x16xf32> to vector<128xf32>
    %broadcast_in_dim3A_620 = vector.shape_cast %reduce_sum3A_619 : vector<128xf32> to vector<128x1xf32>
    %convert_element_type3A_621 = arith.fptosi %broadcast_in_dim3A_620 : vector<128x1xf32> to vector<128x1xi32>
    %swap3A_622 = arith.constant 3456 : index
    %swap3A_623 = arith.constant 0 : index
    %swap3A_624 = vector.load %arg2[%swap3A_622, %swap3A_623] : memref<4096x1xi32, #tpu.memory_space<vmem>>, vector<128x1xi32>
    tpu.vector_store %arg2[%swap3A_622, %swap3A_623], %convert_element_type3A_621 {strides = array<i32>} : memref<4096x1xi32, #tpu.memory_space<vmem>>, vector<128x1xi32>,
    %reduce_sum3A_625 = arith.constant dense<0.000000e+00> : vector<16xf32>
    %reduce_sum3A_626 = vector.multi_reduction <add>, %slice3A_610, %reduce_sum3A_625 [0] : vector<128x16xf32> to vector<16xf32>
    %broadcast_in_dim3A_627 = vector.shape_cast %reduce_sum3A_626 : vector<16xf32> to vector<1x16xf32>
    %add3A_628 = arith.addf %add3A_609, %broadcast_in_dim3A_627 : vector<1x16xf32>
    %slice3A_629 = vector.extract_strided_slice %concatenate3A {offsets = [3584, 0], sizes = [128, 16], strides = [1, 1]} : vector<4096x16xf32> to vector<128x16xf32>
    %dot_general3A_630 = arith.constant dense<0.000000e+00> : vector<128x16xf32>
    %dot_general3A_631 = tpu.matmul %convert_element_type3A_96, %slice3A_629, %dot_general3A_630 {dimension_numbers = #tpu.dot_dimension_numbers<[1], [0], [0], [1], [0, 0, 1, 1], [], []>, transpose_lhs_hint = false} : vector<128x128xf32>, vector<128x16xf32>, vector<128x16xf32> -> vector<128x16xf32>
    %add3A_632 = vector.broadcast %add3A_628 : vector<1x16xf32> to vector<128x16xf32>
    %add3A_633 = arith.addf %dot_general3A_631, %add3A_632 : vector<128x16xf32>
    %add3A_634 = vector.broadcast %convert_element_type3A_92 : vector<1x16xf32> to vector<128x16xf32>
    %add3A_635 = arith.addf %add3A_633, %add3A_634 : vector<128x16xf32>
    %mul3A_636 = arith.mulf %add3A_635, %slice3A_629 : vector<128x16xf32>
    %reduce_sum3A_637 = arith.constant dense<0.000000e+00> : vector<128xf32>
    %reduce_sum3A_638 = vector.multi_reduction <add>, %mul3A_636, %reduce_sum3A_637 [1] : vector<128x16xf32> to vector<128xf32>
    %broadcast_in_dim3A_639 = vector.shape_cast %reduce_sum3A_638 : vector<128xf32> to vector<128x1xf32>
    %convert_element_type3A_640 = arith.fptosi %broadcast_in_dim3A_639 : vector<128x1xf32> to vector<128x1xi32>
    %swap3A_641 = arith.constant 3584 : index
    %swap3A_642 = arith.constant 0 : index
    %swap3A_643 = vector.load %arg2[%swap3A_641, %swap3A_642] : memref<4096x1xi32, #tpu.memory_space<vmem>>, vector<128x1xi32>
    tpu.vector_store %arg2[%swap3A_641, %swap3A_642], %convert_element_type3A_640 {strides = array<i32>} : memref<4096x1xi32, #tpu.memory_space<vmem>>, vector<128x1xi32>,
    %reduce_sum3A_644 = arith.constant dense<0.000000e+00> : vector<16xf32>
    %reduce_sum3A_645 = vector.multi_reduction <add>, %slice3A_629, %reduce_sum3A_644 [0] : vector<128x16xf32> to vector<16xf32>
    %broadcast_in_dim3A_646 = vector.shape_cast %reduce_sum3A_645 : vector<16xf32> to vector<1x16xf32>
    %add3A_647 = arith.addf %add3A_628, %broadcast_in_dim3A_646 : vector<1x16xf32>
    %slice3A_648 = vector.extract_strided_slice %concatenate3A {offsets = [3712, 0], sizes = [128, 16], strides = [1, 1]} : vector<4096x16xf32> to vector<128x16xf32>
    %dot_general3A_649 = arith.constant dense<0.000000e+00> : vector<128x16xf32>
    %dot_general3A_650 = tpu.matmul %convert_element_type3A_96, %slice3A_648, %dot_general3A_649 {dimension_numbers = #tpu.dot_dimension_numbers<[1], [0], [0], [1], [0, 0, 1, 1], [], []>, transpose_lhs_hint = false} : vector<128x128xf32>, vector<128x16xf32>, vector<128x16xf32> -> vector<128x16xf32>
    %add3A_651 = vector.broadcast %add3A_647 : vector<1x16xf32> to vector<128x16xf32>
    %add3A_652 = arith.addf %dot_general3A_650, %add3A_651 : vector<128x16xf32>
    %add3A_653 = vector.broadcast %convert_element_type3A_92 : vector<1x16xf32> to vector<128x16xf32>
    %add3A_654 = arith.addf %add3A_652, %add3A_653 : vector<128x16xf32>
    %mul3A_655 = arith.mulf %add3A_654, %slice3A_648 : vector<128x16xf32>
    %reduce_sum3A_656 = arith.constant dense<0.000000e+00> : vector<128xf32>
    %reduce_sum3A_657 = vector.multi_reduction <add>, %mul3A_655, %reduce_sum3A_656 [1] : vector<128x16xf32> to vector<128xf32>
    %broadcast_in_dim3A_658 = vector.shape_cast %reduce_sum3A_657 : vector<128xf32> to vector<128x1xf32>
    %convert_element_type3A_659 = arith.fptosi %broadcast_in_dim3A_658 : vector<128x1xf32> to vector<128x1xi32>
    %swap3A_660 = arith.constant 3712 : index
    %swap3A_661 = arith.constant 0 : index
    %swap3A_662 = vector.load %arg2[%swap3A_660, %swap3A_661] : memref<4096x1xi32, #tpu.memory_space<vmem>>, vector<128x1xi32>
    tpu.vector_store %arg2[%swap3A_660, %swap3A_661], %convert_element_type3A_659 {strides = array<i32>} : memref<4096x1xi32, #tpu.memory_space<vmem>>, vector<128x1xi32>,
    %reduce_sum3A_663 = arith.constant dense<0.000000e+00> : vector<16xf32>
    %reduce_sum3A_664 = vector.multi_reduction <add>, %slice3A_648, %reduce_sum3A_663 [0] : vector<128x16xf32> to vector<16xf32>
    %broadcast_in_dim3A_665 = vector.shape_cast %reduce_sum3A_664 : vector<16xf32> to vector<1x16xf32>
    %add3A_666 = arith.addf %add3A_647, %broadcast_in_dim3A_665 : vector<1x16xf32>
    %slice3A_667 = vector.extract_strided_slice %concatenate3A {offsets = [3840, 0], sizes = [128, 16], strides = [1, 1]} : vector<4096x16xf32> to vector<128x16xf32>
    %dot_general3A_668 = arith.constant dense<0.000000e+00> : vector<128x16xf32>
    %dot_general3A_669 = tpu.matmul %convert_element_type3A_96, %slice3A_667, %dot_general3A_668 {dimension_numbers = #tpu.dot_dimension_numbers<[1], [0], [0], [1], [0, 0, 1, 1], [], []>, transpose_lhs_hint = false} : vector<128x128xf32>, vector<128x16xf32>, vector<128x16xf32> -> vector<128x16xf32>
    %add3A_670 = vector.broadcast %add3A_666 : vector<1x16xf32> to vector<128x16xf32>
    %add3A_671 = arith.addf %dot_general3A_669, %add3A_670 : vector<128x16xf32>
    %add3A_672 = vector.broadcast %convert_element_type3A_92 : vector<1x16xf32> to vector<128x16xf32>
    %add3A_673 = arith.addf %add3A_671, %add3A_672 : vector<128x16xf32>
    %mul3A_674 = arith.mulf %add3A_673, %slice3A_667 : vector<128x16xf32>
    %reduce_sum3A_675 = arith.constant dense<0.000000e+00> : vector<128xf32>
    %reduce_sum3A_676 = vector.multi_reduction <add>, %mul3A_674, %reduce_sum3A_675 [1] : vector<128x16xf32> to vector<128xf32>
    %broadcast_in_dim3A_677 = vector.shape_cast %reduce_sum3A_676 : vector<128xf32> to vector<128x1xf32>
    %convert_element_type3A_678 = arith.fptosi %broadcast_in_dim3A_677 : vector<128x1xf32> to vector<128x1xi32>
    %swap3A_679 = arith.constant 3840 : index
    %swap3A_680 = arith.constant 0 : index
    %swap3A_681 = vector.load %arg2[%swap3A_679, %swap3A_680] : memref<4096x1xi32, #tpu.memory_space<vmem>>, vector<128x1xi32>
    tpu.vector_store %arg2[%swap3A_679, %swap3A_680], %convert_element_type3A_678 {strides = array<i32>} : memref<4096x1xi32, #tpu.memory_space<vmem>>, vector<128x1xi32>,
    %reduce_sum3A_682 = arith.constant dense<0.000000e+00> : vector<16xf32>
    %reduce_sum3A_683 = vector.multi_reduction <add>, %slice3A_667, %reduce_sum3A_682 [0] : vector<128x16xf32> to vector<16xf32>
    %broadcast_in_dim3A_684 = vector.shape_cast %reduce_sum3A_683 : vector<16xf32> to vector<1x16xf32>
    %add3A_685 = arith.addf %add3A_666, %broadcast_in_dim3A_684 : vector<1x16xf32>
    %slice3A_686 = vector.extract_strided_slice %concatenate3A {offsets = [3968, 0], sizes = [128, 16], strides = [1, 1]} : vector<4096x16xf32> to vector<128x16xf32>
    %dot_general3A_687 = arith.constant dense<0.000000e+00> : vector<128x16xf32>
    %dot_general3A_688 = tpu.matmul %convert_element_type3A_96, %slice3A_686, %dot_general3A_687 {dimension_numbers = #tpu.dot_dimension_numbers<[1], [0], [0], [1], [0, 0, 1, 1], [], []>, transpose_lhs_hint = false} : vector<128x128xf32>, vector<128x16xf32>, vector<128x16xf32> -> vector<128x16xf32>
    %add3A_689 = vector.broadcast %add3A_685 : vector<1x16xf32> to vector<128x16xf32>
    %add3A_690 = arith.addf %dot_general3A_688, %add3A_689 : vector<128x16xf32>
    %add3A_691 = vector.broadcast %convert_element_type3A_92 : vector<1x16xf32> to vector<128x16xf32>
    %add3A_692 = arith.addf %add3A_690, %add3A_691 : vector<128x16xf32>
    %mul3A_693 = arith.mulf %add3A_692, %slice3A_686 : vector<128x16xf32>
    %reduce_sum3A_694 = arith.constant dense<0.000000e+00> : vector<128xf32>
    %reduce_sum3A_695 = vector.multi_reduction <add>, %mul3A_693, %reduce_sum3A_694 [1] : vector<128x16xf32> to vector<128xf32>
    %broadcast_in_dim3A_696 = vector.shape_cast %reduce_sum3A_695 : vector<128xf32> to vector<128x1xf32>
    %convert_element_type3A_697 = arith.fptosi %broadcast_in_dim3A_696 : vector<128x1xf32> to vector<128x1xi32>
    %swap3A_698 = arith.constant 3968 : index
    %swap3A_699 = arith.constant 0 : index
    %swap3A_700 = vector.load %arg2[%swap3A_698, %swap3A_699] : memref<4096x1xi32, #tpu.memory_space<vmem>>, vector<128x1xi32>
    tpu.vector_store %arg2[%swap3A_698, %swap3A_699], %convert_element_type3A_697 {strides = array<i32>} : memref<4096x1xi32, #tpu.memory_space<vmem>>, vector<128x1xi32>,
    %concatenate3A_701 = tpu.concatenate %broadcast_in_dim3A_9, %broadcast_in_dim3A_21 in 0 : vector<2048x1xf32>, vector<2048x1xf32> -> vector<4096x1xf32>
    %broadcast_in_dim3A_702 = arith.constant 1.000000e+00 : f32
    %broadcast_in_dim3A_703 = vector.broadcast %broadcast_in_dim3A_702 : f32 to vector<1x128xf32>
    %mul3A_704 = vector.broadcast %concatenate3A_701 : vector<4096x1xf32> to vector<4096x128xf32>
    %mul3A_705 = vector.broadcast %broadcast_in_dim3A_703 : vector<1x128xf32> to vector<4096x128xf32>
    %mul3A_706 = arith.mulf %mul3A_704, %mul3A_705 : vector<4096x128xf32>
    %swap3A_707 = arith.constant 0 : index
    %swap3A_708 = arith.constant 0 : index
    %swap3A_709 = vector.load %arg3[%swap3A_707, %swap3A_708] : memref<4096x128xf32, #tpu.memory_space<vmem>>, vector<4096x128xf32>
    tpu.vector_store %arg3[%swap3A_707, %swap3A_708], %mul3A_706 {strides = array<i32>} : memref<4096x128xf32, #tpu.memory_space<vmem>>, vector<4096x128xf32>,
    %iota3A_710 = tpu.iota {dimensions = array<i32: 0>} : vector<24x1xi32>
    %mul3A_711 = arith.constant 512 : i32
    %mul3A_712 = vector.broadcast %mul3A_711 : i32 to vector<24x1xi32>
    %mul3A_713 = arith.muli %iota3A_710, %mul3A_712 : vector<24x1xi32>
    %ge3A = vector.broadcast %mul3A_713 : vector<24x1xi32> to vector<24x16xi32>
    %ge3A_714 = vector.broadcast %add3A_90 : vector<1x16xi32> to vector<24x16xi32>
    %ge3A_715 = arith.cmpi sge, %ge3A, %ge3A_714 : vector<24x16xi32>
    %convert_element_type3A_716 = arith.extui %ge3A_715 : vector<24x16xi1> to vector<24x16xi32>
    %reduce_sum3A_717 = arith.constant dense<0> : vector<24xi32>
    %reduce_sum3A_718 = vector.multi_reduction <add>, %convert_element_type3A_716, %reduce_sum3A_717 [1] : vector<24x16xi32> to vector<24xi32>
    %broadcast_in_dim3A_719 = vector.shape_cast %reduce_sum3A_718 : vector<24xi32> to vector<24x1xi32>
    %min3A = arith.constant 15 : i32
    %min3A_720 = vector.broadcast %min3A : i32 to vector<24x1xi32>
    %min3A_721 = arith.minsi %broadcast_in_dim3A_719, %min3A_720 : vector<24x1xi32>
    %swap3A_722 = arith.constant 0 : index
    %swap3A_723 = arith.constant 0 : index
    %swap3A_724 = vector.load %arg1[%swap3A_722, %swap3A_723] : memref<24x1xi32, #tpu.memory_space<vmem>>, vector<24x1xi32>
    tpu.vector_store %arg1[%swap3A_722, %swap3A_723], %min3A_721 {strides = array<i32>} : memref<24x1xi32, #tpu.memory_space<vmem>>, vector<24x1xi32>,
    return
  }
}

module attributes {stable_mosaic.version = 14 : i64} {
  func.func @_mlp_body(%arg0: i32, %arg1: memref<24xi32, #tpu.memory_space<smem>>, %arg2: memref<512x128xf32, #tpu.memory_space<vmem>>, %arg3: memref<512x1024xf32, #tpu.memory_space<vmem>>, %arg4: memref<1x1024x2048xbf16, #tpu.memory_space<vmem>>, %arg5: memref<1x1x2048xf32, #tpu.memory_space<vmem>>, %arg6: memref<1x2048x1024xbf16, #tpu.memory_space<vmem>>, %arg7: memref<1x1x1024xf32, #tpu.memory_space<vmem>>, %arg8: memref<512x1024xf32, #tpu.memory_space<vmem>>) attributes {dimension_semantics = [#tpu.dimension_semantics<arbitrary>], iteration_bounds = array<i64: 24>, scalar_prefetch = 1 : i64, scratch_operands = 0 : i64, tpu.core_type = #tpu.core_type<tc>, window_params = [{transform_indices = @transform_0, window_bounds = array<i64: 512, 128>}, {transform_indices = @transform_1, window_bounds = array<i64: 512, 1024>}, {transform_indices = @transform_2, window_bounds = array<i64: 1, 1024, 2048>}, {transform_indices = @transform_3, window_bounds = array<i64: 1, 1, 2048>}, {transform_indices = @transform_4, window_bounds = array<i64: 1, 2048, 1024>}, {transform_indices = @transform_5, window_bounds = array<i64: 1, 1, 1024>}, {transform_indices = @transform_6, window_bounds = array<i64: 512, 1024>}]} {
    %get3A = arith.constant 0 : index
    %get3A_0 = arith.constant 0 : index
    %get3A_1 = vector.load %arg3[%get3A, %get3A_0] : memref<512x1024xf32, #tpu.memory_space<vmem>>, vector<512x1024xf32>
    %convert_element_type3A = arith.truncf %get3A_1 : vector<512x1024xf32> to vector<512x1024xbf16>
    %get3A_2 = arith.constant 0 : index
    %get3A_3 = arith.constant 0 : index
    %get3A_4 = arith.constant 0 : index
    %get3A_5 = vector.load %arg4[%get3A_2, %get3A_3, %get3A_4] : memref<1x1024x2048xbf16, #tpu.memory_space<vmem>>, vector<1x1024x2048xbf16>
    %get3A_6 = vector.shape_cast %get3A_5 : vector<1x1024x2048xbf16> to vector<1024x2048xbf16>
    %dot_general3A = arith.constant dense<0.000000e+00> : vector<512x2048xf32>
    %dot_general3A_7 = tpu.matmul %convert_element_type3A, %get3A_6, %dot_general3A {dimension_numbers = #tpu.dot_dimension_numbers<[1], [0], [0], [1], [0, 0, 1, 1], [], []>, transpose_lhs_hint = false} : vector<512x1024xbf16>, vector<1024x2048xbf16>, vector<512x2048xf32> -> vector<512x2048xf32>
    %get3A_8 = arith.constant 0 : index
    %get3A_9 = arith.constant 0 : index
    %get3A_10 = arith.constant 0 : index
    %get3A_11 = vector.load %arg5[%get3A_8, %get3A_9, %get3A_10] : memref<1x1x2048xf32, #tpu.memory_space<vmem>>, vector<1x1x2048xf32>
    %get3A_12 = vector.shape_cast %get3A_11 : vector<1x1x2048xf32> to vector<1x2048xf32>
    %add3A = vector.broadcast %get3A_12 : vector<1x2048xf32> to vector<512x2048xf32>
    %add3A_13 = arith.addf %dot_general3A_7, %add3A : vector<512x2048xf32>
    %integer_pow3A = arith.mulf %add3A_13, %add3A_13 : vector<512x2048xf32>
    %integer_pow3A_14 = arith.mulf %add3A_13, %integer_pow3A : vector<512x2048xf32>
    %mul3A = arith.constant 4.471500e-02 : f32
    %mul3A_15 = vector.broadcast %mul3A : f32 to vector<512x2048xf32>
    %mul3A_16 = arith.mulf %mul3A_15, %integer_pow3A_14 : vector<512x2048xf32>
    %add3A_17 = arith.addf %add3A_13, %mul3A_16 : vector<512x2048xf32>
    %mul3A_18 = arith.constant 0.797884583 : f32
    %mul3A_19 = vector.broadcast %mul3A_18 : f32 to vector<512x2048xf32>
    %mul3A_20 = arith.mulf %mul3A_19, %add3A_17 : vector<512x2048xf32>
    %tanh3A = math.tanh %mul3A_20 : vector<512x2048xf32>
    %add3A_21 = arith.constant 1.000000e+00 : f32
    %add3A_22 = vector.broadcast %add3A_21 : f32 to vector<512x2048xf32>
    %add3A_23 = arith.addf %add3A_22, %tanh3A : vector<512x2048xf32>
    %mul3A_24 = arith.constant 5.000000e-01 : f32
    %mul3A_25 = vector.broadcast %mul3A_24 : f32 to vector<512x2048xf32>
    %mul3A_26 = arith.mulf %mul3A_25, %add3A_23 : vector<512x2048xf32>
    %mul3A_27 = arith.mulf %add3A_13, %mul3A_26 : vector<512x2048xf32>
    %convert_element_type3A_28 = arith.truncf %mul3A_27 : vector<512x2048xf32> to vector<512x2048xbf16>
    %get3A_29 = arith.constant 0 : index
    %get3A_30 = arith.constant 0 : index
    %get3A_31 = arith.constant 0 : index
    %get3A_32 = vector.load %arg6[%get3A_29, %get3A_30, %get3A_31] : memref<1x2048x1024xbf16, #tpu.memory_space<vmem>>, vector<1x2048x1024xbf16>
    %get3A_33 = vector.shape_cast %get3A_32 : vector<1x2048x1024xbf16> to vector<2048x1024xbf16>
    %dot_general3A_34 = arith.constant dense<0.000000e+00> : vector<512x1024xf32>
    %dot_general3A_35 = tpu.matmul %convert_element_type3A_28, %get3A_33, %dot_general3A_34 {dimension_numbers = #tpu.dot_dimension_numbers<[1], [0], [0], [1], [0, 0, 1, 1], [], []>, transpose_lhs_hint = false} : vector<512x2048xbf16>, vector<2048x1024xbf16>, vector<512x1024xf32> -> vector<512x1024xf32>
    %get3A_36 = arith.constant 0 : index
    %get3A_37 = arith.constant 0 : index
    %get3A_38 = arith.constant 0 : index
    %get3A_39 = vector.load %arg7[%get3A_36, %get3A_37, %get3A_38] : memref<1x1x1024xf32, #tpu.memory_space<vmem>>, vector<1x1x1024xf32>
    %get3A_40 = vector.shape_cast %get3A_39 : vector<1x1x1024xf32> to vector<1x1024xf32>
    %add3A_41 = vector.broadcast %get3A_40 : vector<1x1024xf32> to vector<512x1024xf32>
    %add3A_42 = arith.addf %dot_general3A_35, %add3A_41 : vector<512x1024xf32>
    %get3A_43 = arith.constant 0 : index
    %get3A_44 = arith.constant 0 : index
    %get3A_45 = vector.load %arg2[%get3A_43, %get3A_44] : memref<512x128xf32, #tpu.memory_space<vmem>>, vector<512x1xf32>
    %mul3A_46 = vector.broadcast %get3A_45 : vector<512x1xf32> to vector<512x1024xf32>
    %mul3A_47 = arith.mulf %add3A_42, %mul3A_46 : vector<512x1024xf32>
    %swap3A = arith.constant 0 : index
    %swap3A_48 = arith.constant 0 : index
    %swap3A_49 = vector.load %arg8[%swap3A, %swap3A_48] : memref<512x1024xf32, #tpu.memory_space<vmem>>, vector<512x1024xf32>
    tpu.vector_store %arg8[%swap3A, %swap3A_48], %mul3A_47 {strides = array<i32>} : memref<512x1024xf32, #tpu.memory_space<vmem>>, vector<512x1024xf32>,
    return
  }
  func.func @transform_0(%arg0: i32, %arg1: memref<24xi32, #tpu.memory_space<smem>>) -> (i32, i32) {
    %c0_i32 = arith.constant 0 : i32
    %c0_i32_0 = arith.constant 0 : i32
    return %arg0, %c0_i32 : i32, i32
  }
  func.func @transform_1(%arg0: i32, %arg1: memref<24xi32, #tpu.memory_space<smem>>) -> (i32, i32) {
    %c0_i32 = arith.constant 0 : i32
    %c0_i32_0 = arith.constant 0 : i32
    return %arg0, %c0_i32 : i32, i32
  }
  func.func @transform_2(%arg0: i32, %arg1: memref<24xi32, #tpu.memory_space<smem>>) -> (i32, i32, i32) {
    %get3A = arith.index_cast %arg0 : i32 to index
    %get3A_0 = memref.load %arg1[%get3A] : memref<24xi32, #tpu.memory_space<smem>>
    %c0_i32 = arith.constant 0 : i32
    %c0_i32_1 = arith.constant 0 : i32
    %c0_i32_2 = arith.constant 0 : i32
    return %get3A_0, %c0_i32, %c0_i32_1 : i32, i32, i32
  }
  func.func @transform_3(%arg0: i32, %arg1: memref<24xi32, #tpu.memory_space<smem>>) -> (i32, i32, i32) {
    %get3A = arith.index_cast %arg0 : i32 to index
    %get3A_0 = memref.load %arg1[%get3A] : memref<24xi32, #tpu.memory_space<smem>>
    %c0_i32 = arith.constant 0 : i32
    %c0_i32_1 = arith.constant 0 : i32
    %c0_i32_2 = arith.constant 0 : i32
    return %get3A_0, %c0_i32, %c0_i32_1 : i32, i32, i32
  }
  func.func @transform_4(%arg0: i32, %arg1: memref<24xi32, #tpu.memory_space<smem>>) -> (i32, i32, i32) {
    %get3A = arith.index_cast %arg0 : i32 to index
    %get3A_0 = memref.load %arg1[%get3A] : memref<24xi32, #tpu.memory_space<smem>>
    %c0_i32 = arith.constant 0 : i32
    %c0_i32_1 = arith.constant 0 : i32
    %c0_i32_2 = arith.constant 0 : i32
    return %get3A_0, %c0_i32, %c0_i32_1 : i32, i32, i32
  }
  func.func @transform_5(%arg0: i32, %arg1: memref<24xi32, #tpu.memory_space<smem>>) -> (i32, i32, i32) {
    %get3A = arith.index_cast %arg0 : i32 to index
    %get3A_0 = memref.load %arg1[%get3A] : memref<24xi32, #tpu.memory_space<smem>>
    %c0_i32 = arith.constant 0 : i32
    %c0_i32_1 = arith.constant 0 : i32
    %c0_i32_2 = arith.constant 0 : i32
    return %get3A_0, %c0_i32, %c0_i32_1 : i32, i32, i32
  }
  func.func @transform_6(%arg0: i32, %arg1: memref<24xi32, #tpu.memory_space<smem>>) -> (i32, i32) {
    %c0_i32 = arith.constant 0 : i32
    %c0_i32_0 = arith.constant 0 : i32
    return %arg0, %c0_i32 : i32, i32
  }
}

</mosaic_0001>

<sc_bundles>
// kernel: kernel.6.cloned.1.call-start
scs
__scs_entry_jumppad:
0x0: {  	(pc) =	sbr.rel $0x88, $3  }
0x1: {  	(tag) =	ssettag $0x0;
	lr =	simm.s32 $0x1  }
0x2: {  	[smem:$0x3F9B] =	sst lr;
	_ =	strace $0xD0000000  }
0x3: {  	_ = 	snop  }
0x4: {  	_ = 	snop  }
0x5: {  	_ = 	snop  }
0x6: {  	_ = 	snop  }
0x7: {  	_ = 	snop  }
__scs_overlays_trampoline_lowered:
0x8: {  	[smem:$0x3FAA] =	sst s0  }
0x9: {  	[smem:$0x3FAB] =	sst s1  }
0xa: {  	[smem:$0x3FAC] =	sst s2  }
0xb: {  	[smem:$0x3FAD] =	sst s3  }
0xc: {  	[smem:$0x3FAE] =	sst s4  }
0xd: {  	[smem:$0x3FAF] =	sst s5  }
0xe: {  	[smem:$0x3FB0] =	sst s6  }
0xf: {  	[smem:$0x3FB1] =	sst s7  }
0x10: {  	[smem:$0x3FB2] =	sst s8  }
0x11: {  	[smem:$0x3FB3] =	sst s9;
	s0 =	simm.s32 @!p0 $0x0  }
0x12: {  	s1 =	sld [smem:$0x3F99];
	s0 =	simm.s32 @p0 $0x1  }
0x13: {  	[smem:$0x3FB4] =	sst s0;
	s0 =	simm.s32 @!p1 $0x0  }
0x14: {  	s2 =	sld [smem:$0x3F98];
	s0 =	simm.s32 @p1 $0x1  }
0x15: {  	[smem:$0x3FB5] =	sst s0;
	s0 =	simm.s32 @!p2 $0x0  }
0x16: {  	s3 =	sld [smem:$0x3FDB];
	s0 =	simm.s32 @p2 $0x1  }
0x17: {  	s4 =	simm.s32 $0x1BF5;
	[smem:$0x3FB7] =	sst s0  }
0x18: {  	s0 =	sld [smem:$0x3F9A];
	_ =	swait.ge [sflag:s4], $0x0  }
0x19: {  	s7 =	sld [smem:$0x3F9B]  }
0x1a: {  	s8 =	sadd.s32 $0xFFFFE003, lr  }
0x1b: {  	s9 =	sadd.s32 $0xFFFFFEF7, lr;
	s5 =	simm.s32 $0xFFFFFFFF;
	p2 =	slt.u32 s8, $0xFFFFF086  }
0x1c: {  	p1 =	slt.u32 s9, $0xF7A;
	s5 =	simm.s32 @!p2 $0x0  }
0x1d: {  	s5 =	simm.s32 @p1 $0x1;
	p0 =	seq.s32 s7, s2  }
0x1e: {  	s7 =	smul.u32 @!p0 $0xF7A, s2;
	p2 =	seq.s32 @!p0 s5, $0x0  }
0x1f: {  	s9 =	smul.u32 $0xF7A, s1;
	s8 =	simm.s32 @!p0 $0x1BF5;
	p2 =	por !p2, p0  }
0x20: {  	[sflag:s8] =	ssyncset.s32 @!p0 $0xFFFFF086;
	s6 =	sadd.s32 @!p0 s3, s7;
	s7 =	simm.s32 @!p0 $0x108  }
0x21: {  	s3 =	sadd.s32 s3, s9;
	s6 =	sadd.s32 @!p0 $0x88, s6;
	s7 =	simm.s32 @p2 $0x1082  }
0x22: {  	[simem:s7], [sflag:s8] =	dma.local @!p0 [hbm:s6], $0xF7A  }
0x23: {  	s9 =	sor.u32 $0xD0000000, s2;
	s6 =	simm.s32 $0x108;
	_ =	swait.ge @!p0 [sflag:s8], $0x0  }
0x24: {  	s3 =	sadd.s32 $0x88, s3;
	s6 =	simm.s32 @!p1 $0x1082;
	[sflag:s4] =	ssyncset.s32 $0xFFFFF086  }
0x25: {  	[simem:s6], [sflag:s4] =	dma.local [hbm:s3], $0xF7A  }
0x26: {  	[smem:$0x3F9B] =	sst s1;
	(tag) =	ssettag s2;
	_ =	strace s9  }
0x27: {  	s1 =	sld [smem:$0x3FAB]  }
0x28: {  	s2 =	sld [smem:$0x3FAC]  }
0x29: {  	s4 =	sld [smem:$0x3FAE]  }
0x2a: {  	p0 =	seq.s32 s5, $0x0;
	s5 =	sld [smem:$0x3FAF]  }
0x2b: {  	s6 =	sld [smem:$0x3FB0]  }
0x2c: {  	s7 =	sld [smem:$0x3FB1]  }
0x2d: {  	s3 =	simm.s32 $0x108;
	s8 =	sld [smem:$0x3FB2]  }
0x2e: {  	s3 =	simm.s32 @!p0 $0x1082;
	s9 =	sld [smem:$0x3FB3]  }
0x2f: {  	lr =	sadd.s32 s0, s3;
	s0 =	sld [smem:$0x3FAA]  }
0x30: {  	s3 =	sld [smem:$0x3FAD]  }
0x31: {  	[smem:$0x3FB6] =	sst s10  }
0x32: {  	s10 =	sld [smem:$0x3FB4];
	_ =	sdelay $0x3  }
0x33: {  	p0 =	seq.s32 s10, $0x1;
	s10 =	sld [smem:$0x3FB6];
	_ =	sdelay $0x3  }
0x34: {  	[smem:$0x3FB6] =	sst s10  }
0x35: {  	s10 =	sld [smem:$0x3FB5];
	_ =	sdelay $0x3  }
0x36: {  	p1 =	seq.s32 s10, $0x1;
	s10 =	sld [smem:$0x3FB6];
	_ =	sdelay $0x3  }
0x37: {  	[smem:$0x3FB6] =	sst s10  }
0x38: {  	s10 =	sld [smem:$0x3FB7]  }
0x39: {  	_ = 	snop;
	(pc) =	sbr.ind lr, $3  }
0x3a: {  	_ = 	snop  }
0x3b: {  	_ = 	snop  }
0x3c: {  	p2 =	seq.s32 s10, $0x1;
	s10 =	sld [smem:$0x3FB6]  }
0x3d: {  	_ =	shalt  }
0x3e: {  	_ =	shalt  }
0x3f: {  	_ =	shalt  }
0x40: {  	_ =	shalt  }
0x41: {  	_ =	shalt  }
0x42: {  	_ =	shalt  }
0x43: {  	_ =	shalt  }
0x44: {  	_ =	shalt  }
0x45: {  	_ =	shalt  }
0x46: {  	_ =	shalt  }
0x47: {  	_ =	shalt  }
0x48: {  	_ =	shalt  }
0x49: {  	_ =	shalt  }
0x4a: {  	_ =	shalt  }
0x4b: {  	_ =	shalt  }
0x4c: {  	_ =	shalt  }
0x4d: {  	_ =	shalt  }
0x4e: {  	_ =	shalt  }
0x4f: {  	_ =	shalt  }
0x50: {  	_ =	shalt  }
0x51: {  	_ =	shalt  }
0x52: {  	_ =	shalt  }
0x53: {  	_ =	shalt  }
0x54: {  	_ =	shalt  }
0x55: {  	_ =	shalt  }
0x56: {  	_ =	shalt  }
0x57: {  	_ =	shalt  }
0x58: {  	_ =	shalt  }
0x59: {  	_ =	shalt  }
0x5a: {  	_ =	shalt  }
0x5b: {  	_ =	shalt  }
0x5c: {  	_ =	shalt  }
0x5d: {  	_ =	shalt  }
0x5e: {  	_ =	shalt  }
0x5f: {  	_ =	shalt  }
0x60: {  	_ =	shalt  }
0x61: {  	_ =	shalt  }
0x62: {  	_ =	shalt  }
0x63: {  	_ =	shalt  }
0x64: {  	_ =	shalt  }
0x65: {  	_ =	shalt  }
0x66: {  	_ =	shalt  }
0x67: {  	_ =	shalt  }
0x68: {  	_ =	shalt  }
0x69: {  	_ =	shalt  }
0x6a: {  	_ =	shalt  }
0x6b: {  	_ =	shalt  }
0x6c: {  	_ =	shalt  }
0x6d: {  	_ =	shalt  }
0x6e: {  	_ =	shalt  }
0x6f: {  	_ =	shalt  }
0x70: {  	_ =	shalt  }
0x71: {  	_ =	shalt  }
0x72: {  	_ =	shalt  }
0x73: {  	_ =	shalt  }
0x74: {  	_ =	shalt  }
0x75: {  	_ =	shalt  }
0x76: {  	_ =	shalt  }
0x77: {  	_ =	shalt  }
0x78: {  	_ =	shalt  }
0x79: {  	_ =	shalt  }
0x7a: {  	_ =	shalt  }
0x7b: {  	_ =	shalt  }
0x7c: {  	_ =	shalt  }
0x7d: {  	_ =	shalt  }
0x7e: {  	_ =	shalt  }
0x7f: {  	_ =	shalt  }
0x80: {  	_ =	shalt  }
0x81: {  	_ =	shalt  }
0x82: {  	_ =	shalt  }
0x83: {  	_ =	shalt  }
0x84: {  	_ =	shalt  }
0x85: {  	_ =	shalt  }
0x86: {  	_ =	shalt  }
0x87: {  	_ =	shalt  }
.Lfunc_end0:
.L_simem_size_0:
called_computation_lowered:
.L_overlay_start_0:
0x88: {  	s2 =	sld [smem:$0x3FD9]  }
0x89: {  	s3 =	sld [smem:$0x3FFE];
	_ =	sdelay $0x1  }
0x8a: {  	s1 =	srdreg.scid  }
0x8b: {  	s0 =	sand.u32 $0x1, s1  }
0x8c: {  	s17 =	sshll.u32 s0, $0xA;
	s2 =	sadd.s32 s3, s2  }
0x8d: {  	s2 =	sadd.s32 s2, s17  }
0x8e: {  	[smem:$0x3FC2] =	sst s2  }
0x8f: {  	_ = 	snop  }
0x90: {  	s2 =	sld [smem:$0x3FC9]  }
0x91: {  	s18 =	sld [smem:$0x3FD0];
	(tm) =	ssettm $0x1  }
0x92: {  	s4 =	sld [smem:$0x3FFB];
	_ =	sdelay $0x3  }
0x93: {  	_ =	strace s4  }
0x94: {  	s4 =	sld [smem:$0x3FFC];
	_ =	sdelay $0x3  }
0x95: {  	_ =	strace s4  }
0x96: {  	s4 =	sld [smem:$0x3FFD];
	_ =	sdelay $0x3  }
0x97: {  	_ =	strace s4  }
0x98: {  	_ =	strace $0x8FFFFFFF  }
0x99: {  	s19 =	sld [smem:$0x3FDB];
	_ =	sdelay $0x1  }
0x9a: {  	s5 =	simm.s32 $_scs_section_size  }
0x9b: {  	s6 =	simm.s32 $_size__tile_overlayer_lowered;
	s7 =	simm.s32 $_tile_overlayer_lowered  }
0x9c: {  	s22 =	simm.s32 $0x1BFF;
	s21 =	sshll.u32 s7, $0x1;
	s4 =	sadd.s32 s5, s19  }
0x9d: {  	s8 =	simm.s32 $0x0;
	s20 =	sshll.u32 s6, $0x1;
	s6 =	sadd.s32 s21, s4  }
0x9e: {  	[timem:s8], [sflag:s22] =	dma.local [hbm:s6], s20  }
0x9f: {  	_ =	swait.ge [sflag:s22], s20  }
0xa0: {  	s5 =	ssub.s32 $0x0, s20;
	[sflag:s22] =	ssyncset.done $0x0  }
0xa1: {  	[sflag:s22] =	ssyncadd.s32 s5;
	_ =	sdelay $0x1  }
0xa2: {  	s23 =	simm.s32 $0x1B8B  }
0xa3: {  	_ =	swait.ge [sflag:s23], $0x1  }
0xa4: {  	[sflag:s23] =	ssyncset.done $0x0  }
0xa5: {  	s25 =	simm.s32 $0x1B8E;
	s24 =	sld [smem:$0x3FFE];
	[sflag:s23] =	ssyncadd.s32 $0xFFFFFFFF  }
0xa6: {  	s26 =	simm.s32 $execute0_lowered;
	[smem:$0x3FD2] =	sst s25  }
0xa7: {  	s6 =	sshll.u32 s26, $0x1;
	_ =	strace $0x80000046;
	[dreg:$0x1] =	wrdreg $0xFFFFFFFF  }
0xa8: {  	s28 =	simm.s32 $_size_execute0_lowered;
	s4 =	sadd.s32 s4, s6;
	[dreg:$0x0] =	wrdreg $0x0  }
0xa9: {  	s6 =	sshll.u32 s28, $0x1;
	[dreg:$0x2] =	wrdreg s4  }
0xaa: {  	[dreg:$0x3] =	wrdreg s6  }
0xab: {  	[dreg:$0x4] =	wrdreg $0xC0  }
0xac: {  	_ =	task [dreg:s8], $0x5FFFF  }
0xad: {  	[dreg:$0x1] =	wrdreg $0xFFFFFFFF  }
0xae: {  	[dreg:$0x0] =	wrdreg $0x60  }
0xaf: {  	[dreg:$0x2] =	wrdreg s2  }
0xb0: {  	[dreg:$0x3] =	wrdreg s24  }
0xb1: {  	[dreg:$0x4] =	wrdreg s18  }
0xb2: {  	[dreg:$0x5] =	wrdreg $0x9  }
0xb3: {  	_ =	task.clear_ibuf [dreg:s8], $0x6FFFF;
	_ =	strace $0x90000046  }
0xb4: {  	s29 =	simm.s32 $0x9;
	_ =	strace $0x80000048  }
0xb5: {  	_ =	swait.ge [sflag:s29], $0x1  }
0xb6: {  	[sflag:s29] =	ssyncadd.s32 $0xFFFFFFFF  }
0xb7: {  	_ =	strace $0x90000048  }
0xb8: {  	_ =	sfence  }
0xb9: {  	s30 =	sld [smem:$0x0];
	_ =	sdelay $0x2  }
0xba: {  	s31 =	sshll.u32 s1, $0xD;
	s1 =	sshrl.u32 s1, $0x2  }
0xbb: {  	s3 =	sand.u32 $0x4000, s31;
	s1 =	sadd.s32 s1, s30  }
0xbc: {  	s0 =	sor.u32 s3, s0;
	s1 =	sshll.u32 s1, $0x11  }
0xbd: {  	s0 =	sor.u32 s1, s0  }
0xbe: {  	s0 =	sadd.s32 $0x8F2B, s0  }
0xbf: {  	[sflag:s0] =	ssyncadd.remote.s32 $0x1  }
0xc0: {  	_ =	sfence.sel $0xFFFF  }
0xc1: {  	[dreg:$0x0] =	wrdreg $0xFFFFFFFF;
	(pc) =	sbr.abs _section_cstart, $3  }
0xc2: {  	[dreg:$0x1] =	wrdreg $0xFFFFFFFF  }
0xc3: {  	_ =	task.clear_ibuf [dreg:s8], $0x2FFFF;
	_ =	strace $0x9FFFFFFF  }
0xc4: {  	(tm) =	ssettm $0x7FFFFFFF  }
0xc5: {  	_ =	shalt  }
tec
execute0_lowered:
.L_overlay_start_1:
0x0: {  	(tag) =	ssettag $0x1  }
0x1: {  	s1 =	rddreg [dreg:$0x0]  }
0x2: {  	s8 =	rddreg [dreg:$0x1]  }
0x3: {  	s3 =	rddreg [dreg:$0x2]  }
0x4: {  	s0 =	rddreg [dreg:$0x3]  }
0x5: {  	s5 =	srdreg.scid;
	s4 =	simm.s32 $0x0;
	s2 =	stileid.u32  }
0x6: {  	s14 =	simm.s32 $0x80;
	s15 =	simm.s32 $0x2080;
	s16 =	simm.s32 $0x880  }
0x7: {  	s17 =	simm.s32 $0x1080;
	s18 =	simm.s32 $0x1880;
	s19 =	simm.s32 $0x8  }
0x8: {  	s20 =	simm.s32 $0x0;
	s12 =	sand.u32 $0x1, s5;
	[smem:$0x7FF] =	sst s4  }
0x9: {  	s28 =	sshll.u32 s2, $0x8;
	s29 =	sshll.u32 s2, $0xC;
	s31 =	sshll.u32 s2, $0xF  }
0xa: {  	s6 =	sshll.u32 s12, $0x7;
	_ =	strace $0x80000047;
	s7 =	ssub.s32 $0x2, s12  }
0xb: {  	s9 =	sadd.s32 s29, s8;
	s13 =	sshll.u32 s12, $0xB;
	s12 =	sshll.u32 s12, $0xE  }
0xc: {  	s5 =	sor.u32 s6, s28;
	s30 =	sshrl.u32 s7, $0x1;
	s6 =	sadd.s32 $0x10500, s8  }
0xd: {  	s13 =	sadd.s32 s13, s9;
	s12 =	sor.u32 s12, s31;
	s5 =	sshrl.u32 s5, $0x3  }
0xe: {  	v0 =	vlaneseq.u32;
	s10 =	ssub.s32 s7, s30;
	s7 =	sadd.s32 $0x10600, s8;
	s11 =	sadd.s32 s5, s8  }
0xf: {  	v1 =	vshrl.u32 v0, $0x3;
	s5 =	sadd.s32 $0x10400, s8;
	s8 =	sadd.s32 $0x10700, s8;
	s9 =	smax.u32 s10, $0x1  }
0x10: {  	vm0 =	vmmov $0xffff;
	v0 =	vand.u32 $0x7, v0;
	v1 =	vmul.u32 $0x8, v1;
	s10 =	sadd.s32 $0x200, s13;
	s13 =	simm.s32 $0x1;
	s11 =	sadd.s32 $0x10200, s11  }
.LBB2_1:
0x11: {  	s21 =	sadd.s32 $0x0, s11  }
0x12: {  	[tilespmem:s4], [sflag:$0x1] =	stream.linear.gather [hbm4b:s21+s4], $0x8, $0x38;
	[tilespmem:$0x2480] =	vst v63  }
0x13: {  	_ =	swait.ge [sflag:s13], $0x8  }
0x14: {  	s31 =	sand.u32 $0x3FC00, s12;
	[sflag:s13] =	ssyncset.done $0x0  }
0x15: {  	s21 =	sadd.s32 s1, s31;
	[sflag:s13] =	ssyncadd.s32 $0xFFFFFFF8  }
0x16: {  	[tilespmem:s14], [sflag:$0x1] =	stream.linear.gather [hbm4b:s21+s4], $0x2000, $0x38;
	[tilespmem:$0x2480] =	vst v63  }
0x17: {  	_ =	swait.ge [sflag:s13], $0x2000  }
0x18: {  	[sflag:s13] =	ssyncset.done $0x0  }
0x19: {  	[sflag:s13] =	ssyncadd.s32 $0xFFFFE000  }
0x1a: {  	[tilespmem:s15], [sflag:$0x1] =	stream.linear.gather [hbm4b:s10+s4], $0x400, $0x38;
	[tilespmem:$0x2480] =	vst v63  }
0x1b: {  	_ =	swait.ge [sflag:s13], $0x400  }
0x1c: {  	[sflag:s13] =	ssyncset.done $0x0  }
0x1d: {  	[sflag:s13] =	ssyncadd.s32 $0xFFFFFC00  }
0x1e: {  	v2 =	vld.msk [tilespmem:$0x0], $0xff;
	_ =	sdelay $0x4  }
0x1f: {  	v3 =	vshll.u32 v2, $0x3  }
0x20: {  	v2 =	vand.u32 $0x7, v2;
	v3 =	vand.u32 $0xFFFFFFC0, v3  }
0x21: {  	v2 =	vor.u32 v2, v3  }
0x22: {  	v2 =	vperm.xlane v2, v0;
	_ =	sdelay $0x1  }
0x23: {  	v2 =	vadd.s32 v1, v2;
	_ =	sdelay $0x4  }
0x24: {  	[hbm4b:s5+s4] =	stream.indirect_vreg.scatter [tilespmem:s14], [sflag:$0x1], $0x80, v2, vm0, $0xb8;
	[tilespmem:$0x2480] =	vst v63  }
0x25: {  	_ = 	snop  }
0x26: {  	[hbm4b:s6+s4] =	stream.indirect_vreg.scatter [tilespmem:s16], [sflag:$0x1], $0x80, v2, vm0, $0xb8;
	[tilespmem:$0x2480] =	vst v63  }
0x27: {  	_ = 	snop  }
0x28: {  	[hbm4b:s7+s4] =	stream.indirect_vreg.scatter [tilespmem:s17], [sflag:$0x1], $0x80, v2, vm0, $0xb8;
	[tilespmem:$0x2480] =	vst v63  }
0x29: {  	_ = 	snop  }
0x2a: {  	[hbm4b:s8+s4] =	stream.indirect_vreg.scatter [tilespmem:s18], [sflag:$0x1], $0x80, v2, vm0, $0xb8;
	[tilespmem:$0x2480] =	vst v63  }
0x2b: {  	_ =	swait.ge [sflag:s13], $0x2000  }
0x2c: {  	[sflag:s13] =	ssyncset.done $0x0  }
0x2d: {  	[sflag:s13] =	ssyncadd.s32 $0xFFFFE000  }
0x2e: {  	[hbm4b:s3+s19] =	stream.indirect.scatter [tilespmem:s15], [sflag:$0x1], $0x80, s4, s19, $0xb8;
	[tilespmem:$0x2480] =	vst v63  }
0x2f: {  	s23 =	simm.s32 $0x1;
	s25 =	simm.s32 $0x2;
	_ =	swait.ge [sflag:s13], $0x400  }
0x30: {  	s22 =	sadd.s32 $0x400, s12;
	s21 =	sadd.s32 $0x80, s10;
	[sflag:s13] =	ssyncset.done $0x0  }
.LBB2_2:
0x31: {  	s26 =	sadd.s32 s23, s11  }
0x32: {  	[sflag:s13] =	ssyncadd.s32 $0xFFFFFC00;
	s23 =	smov.u32 s25;
	s24 =	sadd.s32 $0x1, s25  }
0x33: {  	[tilespmem:s4], [sflag:$0x1] =	stream.linear.gather [hbm4b:s26+s4], $0x8, $0x38;
	[tilespmem:$0x2480] =	vst v63  }
0x34: {  	p0 =	sne.s32 s25, $0xF;
	_ =	swait.ge [sflag:s13], $0x8  }
0x35: {  	s25 =	sand.u32 $0x3FC00, s22;
	[sflag:s13] =	ssyncset.done $0x0  }
0x36: {  	s25 =	sadd.s32 s1, s25;
	[sflag:s13] =	ssyncadd.s32 $0xFFFFFFF8  }
0x37: {  	[tilespmem:s14], [sflag:$0x1] =	stream.linear.gather [hbm4b:s25+s4], $0x2000, $0x38;
	[tilespmem:$0x2480] =	vst v63  }
0x38: {  	_ =	swait.ge [sflag:s13], $0x2000  }
0x39: {  	[sflag:s13] =	ssyncset.done $0x0  }
0x3a: {  	[sflag:s13] =	ssyncadd.s32 $0xFFFFE000  }
0x3b: {  	[tilespmem:s15], [sflag:$0x1] =	stream.linear.gather [hbm4b:s21+s4], $0x400, $0x38;
	[tilespmem:$0x2480] =	vst v63  }
0x3c: {  	_ =	swait.ge [sflag:s13], $0x400  }
0x3d: {  	[sflag:s13] =	ssyncset.done $0x0  }
0x3e: {  	[sflag:s13] =	ssyncadd.s32 $0xFFFFFC00  }
0x3f: {  	v2 =	vld.msk [tilespmem:$0x0], $0xff;
	_ =	sdelay $0x4  }
0x40: {  	v3 =	vshll.u32 v2, $0x3  }
0x41: {  	v2 =	vand.u32 $0x7, v2;
	v3 =	vand.u32 $0xFFFFFFC0, v3  }
0x42: {  	v2 =	vor.u32 v2, v3  }
0x43: {  	v2 =	vperm.xlane v2, v0;
	_ =	sdelay $0x1  }
0x44: {  	v2 =	vadd.s32 v1, v2;
	_ =	sdelay $0x4  }
0x45: {  	[hbm4b:s5+s4] =	stream.indirect_vreg.scatter [tilespmem:s14], [sflag:$0x1], $0x80, v2, vm0, $0xb8;
	[tilespmem:$0x2480] =	vst v63  }
0x46: {  	_ = 	snop  }
0x47: {  	[hbm4b:s6+s4] =	stream.indirect_vreg.scatter [tilespmem:s16], [sflag:$0x1], $0x80, v2, vm0, $0xb8;
	[tilespmem:$0x2480] =	vst v63  }
0x48: {  	_ = 	snop  }
0x49: {  	[hbm4b:s7+s4] =	stream.indirect_vreg.scatter [tilespmem:s17], [sflag:$0x1], $0x80, v2, vm0, $0xb8;
	[tilespmem:$0x2480] =	vst v63  }
0x4a: {  	_ = 	snop  }
0x4b: {  	[hbm4b:s8+s4] =	stream.indirect_vreg.scatter [tilespmem:s18], [sflag:$0x1], $0x80, v2, vm0, $0xb8;
	[tilespmem:$0x2480] =	vst v63  }
0x4c: {  	_ =	swait.ge [sflag:s13], $0x2000  }
.Ltmp0:
0x4d: {  	[sflag:s13] =	ssyncset.done $0x0;
	(pc) =	sbr.rel @p0 .LBB2_2-.Ltmp0, $4  }
0x4e: {  	[sflag:s13] =	ssyncadd.s32 $0xFFFFE000  }
0x4f: {  	[hbm4b:s3+s19] =	stream.indirect.scatter [tilespmem:s15], [sflag:$0x1], $0x80, s4, s19, $0xb8;
	[tilespmem:$0x2480] =	vst v63  }
0x50: {  	s22 =	sadd.s32 $0x400, s22;
	_ =	swait.ge [sflag:s13], $0x400  }
0x51: {  	s25 =	smov.u32 s24;
	s21 =	sadd.s32 $0x80, s21;
	[sflag:s13] =	ssyncset.done $0x0  }
0x52: {  	s23 =	sadd.s32 s23, s11;
	[sflag:s13] =	ssyncadd.s32 $0xFFFFFC00  }
0x53: {  	[tilespmem:s4], [sflag:$0x1] =	stream.linear.gather [hbm4b:s23+s4], $0x8, $0x38;
	[tilespmem:$0x2480] =	vst v63  }
0x54: {  	_ =	swait.ge [sflag:s13], $0x8  }
0x55: {  	s22 =	sand.u32 $0x3FC00, s22;
	[sflag:s13] =	ssyncset.done $0x0  }
0x56: {  	s22 =	sadd.s32 s1, s22;
	[sflag:s13] =	ssyncadd.s32 $0xFFFFFFF8  }
0x57: {  	[tilespmem:s14], [sflag:$0x1] =	stream.linear.gather [hbm4b:s22+s4], $0x2000, $0x38;
	[tilespmem:$0x2480] =	vst v63  }
0x58: {  	_ =	swait.ge [sflag:s13], $0x2000  }
0x59: {  	[sflag:s13] =	ssyncset.done $0x0  }
0x5a: {  	[sflag:s13] =	ssyncadd.s32 $0xFFFFE000  }
0x5b: {  	[tilespmem:s15], [sflag:$0x1] =	stream.linear.gather [hbm4b:s21+s4], $0x400, $0x38;
	[tilespmem:$0x2480] =	vst v63  }
0x5c: {  	_ =	swait.ge [sflag:s13], $0x400  }
0x5d: {  	[sflag:s13] =	ssyncset.done $0x0  }
0x5e: {  	[sflag:s13] =	ssyncadd.s32 $0xFFFFFC00  }
0x5f: {  	v2 =	vld.msk [tilespmem:$0x0], $0xff;
	_ =	sdelay $0x4  }
0x60: {  	v3 =	vshll.u32 v2, $0x3  }
0x61: {  	v2 =	vand.u32 $0x7, v2;
	v3 =	vand.u32 $0xFFFFFFC0, v3  }
0x62: {  	v2 =	vor.u32 v2, v3  }
0x63: {  	v2 =	vperm.xlane v2, v0;
	_ =	sdelay $0x1  }
0x64: {  	v2 =	vadd.s32 v1, v2;
	_ =	sdelay $0x4  }
0x65: {  	[hbm4b:s5+s4] =	stream.indirect_vreg.scatter [tilespmem:s14], [sflag:$0x1], $0x80, v2, vm0, $0xb8;
	[tilespmem:$0x2480] =	vst v63  }
0x66: {  	_ = 	snop  }
0x67: {  	[hbm4b:s6+s4] =	stream.indirect_vreg.scatter [tilespmem:s16], [sflag:$0x1], $0x80, v2, vm0, $0xb8;
	[tilespmem:$0x2480] =	vst v63  }
0x68: {  	_ = 	snop  }
0x69: {  	[hbm4b:s7+s4] =	stream.indirect_vreg.scatter [tilespmem:s17], [sflag:$0x1], $0x80, v2, vm0, $0xb8;
	[tilespmem:$0x2480] =	vst v63  }
0x6a: {  	_ = 	snop  }
0x6b: {  	[hbm4b:s8+s4] =	stream.indirect_vreg.scatter [tilespmem:s18], [sflag:$0x1], $0x80, v2, vm0, $0xb8;
	[tilespmem:$0x2480] =	vst v63  }
0x6c: {  	s20 =	sadd.s32 $0x1, s20;
	_ =	swait.ge [sflag:s13], $0x2000  }
0x6d: {  	p0 =	sne.s32 s20, s9;
	[sflag:s13] =	ssyncset.done $0x0  }
.Ltmp1:
0x6e: {  	[sflag:s13] =	ssyncadd.s32 $0xFFFFE000;
	(pc) =	sbr.rel @p0 .LBB2_1-.Ltmp1, $4  }
0x6f: {  	[hbm4b:s3+s19] =	stream.indirect.scatter [tilespmem:s15], [sflag:$0x1], $0x80, s4, s19, $0xb8;
	[tilespmem:$0x2480] =	vst v63  }
0x70: {  	_ =	swait.ge [sflag:s13], $0x400  }
0x71: {  	[sflag:s13] =	ssyncset.done $0x0  }
0x72: {  	[sflag:s13] =	ssyncadd.s32 $0xFFFFFC00  }
0x73: {  	_ =	sfence.sel $0x180000  }
0x74: {  	[bflag:$0x0] =	sbarrier.arrive $0xFFFF  }
0x75: {  	p0 =	sne.s32 s2, $0x0;
	_ =	strace $0x90000047  }
0x76: {  	s0 =	sadd.s32 @!p0 $0x100000, s0;
	[bflag:$0x2] =	sbarrier.arrive $0xFFFF  }
0x77: {  	[sflag:s0] =	ssyncadd.tile.s32 @!p0 $0x1;
	_ =	shalt  }
.Lfunc_end2:
_tile_overlayer_lowered:
.L_overlay_start_2:
0x78: {  	(tag) =	ssettag $0x2  }
0x79: {  	s0 =	rddreg [dreg:$0x0];
	s2 =	stileid.u32  }
0x7a: {  	s1 =	rddreg [dreg:$0x1];
	p0 =	sne.s32 s2, $0x0  }
0x7b: {  	s3 =	rddreg [dreg:$0x2];
	[bflag:$0x3] =	sbarrier.arrive $0xFFFF;
	s2 =	simm.s32 @!p0 $0x1C01  }
0x7c: {  	[timem:s3], [sflag:s2] =	dma.local @!p0 [hbm:s0], s1  }
0x7d: {  	s0 =	simm.s32 @!p0 $0x1  }
0x7e: {  	_ =	swait.ge @!p0 [sflag:s0], s1  }
0x7f: {  	s1 =	ssub.s32 @!p0 $0x0, s1;
	[sflag:s0] =	ssyncset.done @!p0 $0x0  }
0x80: {  	[sflag:s0] =	ssyncadd.s32 @!p0 s1  }
0x81: {  	[bflag:$0x3] =	sbarrier.arrive $0xFFFF  }
0x82: {  	_ =	shalt  }

// kernel: kernel.9.cloned.1.call-start
scs
__scs_entry_jumppad:
0x0: {  	(pc) =	sbr.rel $0x88, $3  }
0x1: {  	(tag) =	ssettag $0x0;
	lr =	simm.s32 $0x1  }
0x2: {  	[smem:$0x3F9B] =	sst lr;
	_ =	strace $0xD0000000  }
0x3: {  	_ = 	snop  }
0x4: {  	_ = 	snop  }
0x5: {  	_ = 	snop  }
0x6: {  	_ = 	snop  }
0x7: {  	_ = 	snop  }
__scs_overlays_trampoline_lowered:
0x8: {  	[smem:$0x3FAA] =	sst s0  }
0x9: {  	[smem:$0x3FAB] =	sst s1  }
0xa: {  	[smem:$0x3FAC] =	sst s2  }
0xb: {  	[smem:$0x3FAD] =	sst s3  }
0xc: {  	[smem:$0x3FAE] =	sst s4  }
0xd: {  	[smem:$0x3FAF] =	sst s5  }
0xe: {  	[smem:$0x3FB0] =	sst s6  }
0xf: {  	[smem:$0x3FB1] =	sst s7  }
0x10: {  	[smem:$0x3FB2] =	sst s8  }
0x11: {  	[smem:$0x3FB3] =	sst s9;
	s0 =	simm.s32 @!p0 $0x0  }
0x12: {  	s1 =	sld [smem:$0x3F99];
	s0 =	simm.s32 @p0 $0x1  }
0x13: {  	[smem:$0x3FB4] =	sst s0;
	s0 =	simm.s32 @!p1 $0x0  }
0x14: {  	s2 =	sld [smem:$0x3F98];
	s0 =	simm.s32 @p1 $0x1  }
0x15: {  	[smem:$0x3FB5] =	sst s0;
	s0 =	simm.s32 @!p2 $0x0  }
0x16: {  	s3 =	sld [smem:$0x3FDB];
	s0 =	simm.s32 @p2 $0x1  }
0x17: {  	s4 =	simm.s32 $0x1BF5;
	[smem:$0x3FB7] =	sst s0  }
0x18: {  	s0 =	sld [smem:$0x3F9A];
	_ =	swait.ge [sflag:s4], $0x0  }
0x19: {  	s7 =	sld [smem:$0x3F9B]  }
0x1a: {  	s8 =	sadd.s32 $0xFFFFE003, lr  }
0x1b: {  	s9 =	sadd.s32 $0xFFFFFEF7, lr;
	s5 =	simm.s32 $0xFFFFFFFF;
	p2 =	slt.u32 s8, $0xFFFFF086  }
0x1c: {  	p1 =	slt.u32 s9, $0xF7A;
	s5 =	simm.s32 @!p2 $0x0  }
0x1d: {  	s5 =	simm.s32 @p1 $0x1;
	p0 =	seq.s32 s7, s2  }
0x1e: {  	s7 =	smul.u32 @!p0 $0xF7A, s2;
	p2 =	seq.s32 @!p0 s5, $0x0  }
0x1f: {  	s9 =	smul.u32 $0xF7A, s1;
	s8 =	simm.s32 @!p0 $0x1BF5;
	p2 =	por !p2, p0  }
0x20: {  	[sflag:s8] =	ssyncset.s32 @!p0 $0xFFFFF086;
	s6 =	sadd.s32 @!p0 s3, s7;
	s7 =	simm.s32 @!p0 $0x108  }
0x21: {  	s3 =	sadd.s32 s3, s9;
	s6 =	sadd.s32 @!p0 $0x88, s6;
	s7 =	simm.s32 @p2 $0x1082  }
0x22: {  	[simem:s7], [sflag:s8] =	dma.local @!p0 [hbm:s6], $0xF7A  }
0x23: {  	s9 =	sor.u32 $0xD0000000, s2;
	s6 =	simm.s32 $0x108;
	_ =	swait.ge @!p0 [sflag:s8], $0x0  }
0x24: {  	s3 =	sadd.s32 $0x88, s3;
	s6 =	simm.s32 @!p1 $0x1082;
	[sflag:s4] =	ssyncset.s32 $0xFFFFF086  }
0x25: {  	[simem:s6], [sflag:s4] =	dma.local [hbm:s3], $0xF7A  }
0x26: {  	[smem:$0x3F9B] =	sst s1;
	(tag) =	ssettag s2;
	_ =	strace s9  }
0x27: {  	s1 =	sld [smem:$0x3FAB]  }
0x28: {  	s2 =	sld [smem:$0x3FAC]  }
0x29: {  	s4 =	sld [smem:$0x3FAE]  }
0x2a: {  	p0 =	seq.s32 s5, $0x0;
	s5 =	sld [smem:$0x3FAF]  }
0x2b: {  	s6 =	sld [smem:$0x3FB0]  }
0x2c: {  	s7 =	sld [smem:$0x3FB1]  }
0x2d: {  	s3 =	simm.s32 $0x108;
	s8 =	sld [smem:$0x3FB2]  }
0x2e: {  	s3 =	simm.s32 @!p0 $0x1082;
	s9 =	sld [smem:$0x3FB3]  }
0x2f: {  	lr =	sadd.s32 s0, s3;
	s0 =	sld [smem:$0x3FAA]  }
0x30: {  	s3 =	sld [smem:$0x3FAD]  }
0x31: {  	[smem:$0x3FB6] =	sst s10  }
0x32: {  	s10 =	sld [smem:$0x3FB4];
	_ =	sdelay $0x3  }
0x33: {  	p0 =	seq.s32 s10, $0x1;
	s10 =	sld [smem:$0x3FB6];
	_ =	sdelay $0x3  }
0x34: {  	[smem:$0x3FB6] =	sst s10  }
0x35: {  	s10 =	sld [smem:$0x3FB5];
	_ =	sdelay $0x3  }
0x36: {  	p1 =	seq.s32 s10, $0x1;
	s10 =	sld [smem:$0x3FB6];
	_ =	sdelay $0x3  }
0x37: {  	[smem:$0x3FB6] =	sst s10  }
0x38: {  	s10 =	sld [smem:$0x3FB7]  }
0x39: {  	_ = 	snop;
	(pc) =	sbr.ind lr, $3  }
0x3a: {  	_ = 	snop  }
0x3b: {  	_ = 	snop  }
0x3c: {  	p2 =	seq.s32 s10, $0x1;
	s10 =	sld [smem:$0x3FB6]  }
0x3d: {  	_ =	shalt  }
0x3e: {  	_ =	shalt  }
0x3f: {  	_ =	shalt  }
0x40: {  	_ =	shalt  }
0x41: {  	_ =	shalt  }
0x42: {  	_ =	shalt  }
0x43: {  	_ =	shalt  }
0x44: {  	_ =	shalt  }
0x45: {  	_ =	shalt  }
0x46: {  	_ =	shalt  }
0x47: {  	_ =	shalt  }
0x48: {  	_ =	shalt  }
0x49: {  	_ =	shalt  }
0x4a: {  	_ =	shalt  }
0x4b: {  	_ =	shalt  }
0x4c: {  	_ =	shalt  }
0x4d: {  	_ =	shalt  }
0x4e: {  	_ =	shalt  }
0x4f: {  	_ =	shalt  }
0x50: {  	_ =	shalt  }
0x51: {  	_ =	shalt  }
0x52: {  	_ =	shalt  }
0x53: {  	_ =	shalt  }
0x54: {  	_ =	shalt  }
0x55: {  	_ =	shalt  }
0x56: {  	_ =	shalt  }
0x57: {  	_ =	shalt  }
0x58: {  	_ =	shalt  }
0x59: {  	_ =	shalt  }
0x5a: {  	_ =	shalt  }
0x5b: {  	_ =	shalt  }
0x5c: {  	_ =	shalt  }
0x5d: {  	_ =	shalt  }
0x5e: {  	_ =	shalt  }
0x5f: {  	_ =	shalt  }
0x60: {  	_ =	shalt  }
0x61: {  	_ =	shalt  }
0x62: {  	_ =	shalt  }
0x63: {  	_ =	shalt  }
0x64: {  	_ =	shalt  }
0x65: {  	_ =	shalt  }
0x66: {  	_ =	shalt  }
0x67: {  	_ =	shalt  }
0x68: {  	_ =	shalt  }
0x69: {  	_ =	shalt  }
0x6a: {  	_ =	shalt  }
0x6b: {  	_ =	shalt  }
0x6c: {  	_ =	shalt  }
0x6d: {  	_ =	shalt  }
0x6e: {  	_ =	shalt  }
0x6f: {  	_ =	shalt  }
0x70: {  	_ =	shalt  }
0x71: {  	_ =	shalt  }
0x72: {  	_ =	shalt  }
0x73: {  	_ =	shalt  }
0x74: {  	_ =	shalt  }
0x75: {  	_ =	shalt  }
0x76: {  	_ =	shalt  }
0x77: {  	_ =	shalt  }
0x78: {  	_ =	shalt  }
0x79: {  	_ =	shalt  }
0x7a: {  	_ =	shalt  }
0x7b: {  	_ =	shalt  }
0x7c: {  	_ =	shalt  }
0x7d: {  	_ =	shalt  }
0x7e: {  	_ =	shalt  }
0x7f: {  	_ =	shalt  }
0x80: {  	_ =	shalt  }
0x81: {  	_ =	shalt  }
0x82: {  	_ =	shalt  }
0x83: {  	_ =	shalt  }
0x84: {  	_ =	shalt  }
0x85: {  	_ =	shalt  }
0x86: {  	_ =	shalt  }
0x87: {  	_ =	shalt  }
.Lfunc_end0:
.L_simem_size_0:
called_computation.1_lowered:
.L_overlay_start_0:
0x88: {  	s2 =	sld [smem:$0x3FD9]  }
0x89: {  	s3 =	sld [smem:$0x3FFE];
	_ =	sdelay $0x1  }
0x8a: {  	s1 =	srdreg.scid  }
0x8b: {  	s0 =	sand.u32 $0x1, s1  }
0x8c: {  	s17 =	sshll.u32 s0, $0xA;
	s2 =	sadd.s32 s3, s2  }
0x8d: {  	s2 =	sadd.s32 s2, s17  }
0x8e: {  	[smem:$0x3FC2] =	sst s2  }
0x8f: {  	_ = 	snop  }
0x90: {  	s2 =	sld [smem:$0x3FD0];
	(tm) =	ssettm $0x1  }
0x91: {  	s18 =	sld [smem:$0x3FFB];
	_ =	sdelay $0x3  }
0x92: {  	_ =	strace s18  }
0x93: {  	s3 =	sld [smem:$0x3FFC];
	_ =	sdelay $0x3  }
0x94: {  	_ =	strace s3  }
0x95: {  	s3 =	sld [smem:$0x3FFD];
	_ =	sdelay $0x3  }
0x96: {  	_ =	strace s3  }
0x97: {  	_ =	strace $0x8FFFFFFF  }
0x98: {  	s19 =	sld [smem:$0x3FDB];
	_ =	sdelay $0x1  }
0x99: {  	s4 =	simm.s32 $_scs_section_size  }
0x9a: {  	s5 =	simm.s32 $_size__tile_overlayer_lowered;
	s6 =	simm.s32 $_tile_overlayer_lowered  }
0x9b: {  	s22 =	simm.s32 $0x1BFF;
	s21 =	sshll.u32 s6, $0x1;
	s3 =	sadd.s32 s4, s19  }
0x9c: {  	s7 =	simm.s32 $0x0;
	s20 =	sshll.u32 s5, $0x1;
	s5 =	sadd.s32 s21, s3  }
0x9d: {  	[timem:s7], [sflag:s22] =	dma.local [hbm:s5], s20  }
0x9e: {  	_ =	swait.ge [sflag:s22], s20  }
0x9f: {  	s4 =	ssub.s32 $0x0, s20;
	[sflag:s22] =	ssyncset.done $0x0  }
0xa0: {  	[sflag:s22] =	ssyncadd.s32 s4;
	_ =	sdelay $0x1  }
0xa1: {  	s23 =	simm.s32 $0x1B8B  }
0xa2: {  	_ =	swait.ge [sflag:s23], $0x1  }
0xa3: {  	[sflag:s23] =	ssyncset.done $0x0  }
0xa4: {  	s25 =	simm.s32 $0x1B8E;
	s24 =	sld [smem:$0x3FFE];
	[sflag:s23] =	ssyncadd.s32 $0xFFFFFFFF  }
0xa5: {  	s26 =	simm.s32 $execute0_lowered;
	[smem:$0x3FD2] =	sst s25  }
0xa6: {  	s5 =	sshll.u32 s26, $0x1;
	_ =	strace $0x80000049;
	[dreg:$0x1] =	wrdreg $0xFFFFFFFF  }
0xa7: {  	s28 =	simm.s32 $_size_execute0_lowered;
	s3 =	sadd.s32 s3, s5;
	[dreg:$0x0] =	wrdreg $0x0  }
0xa8: {  	s5 =	sshll.u32 s28, $0x1;
	[dreg:$0x2] =	wrdreg s3  }
0xa9: {  	[dreg:$0x3] =	wrdreg s5  }
0xaa: {  	[dreg:$0x4] =	wrdreg $0xC0  }
0xab: {  	_ =	task [dreg:s7], $0x5FFFF  }
0xac: {  	[dreg:$0x1] =	wrdreg $0xFFFFFFFF  }
0xad: {  	[dreg:$0x0] =	wrdreg $0x60  }
0xae: {  	[dreg:$0x2] =	wrdreg s24  }
0xaf: {  	[dreg:$0x3] =	wrdreg s2  }
0xb0: {  	[dreg:$0x4] =	wrdreg $0x9  }
0xb1: {  	_ =	task.clear_ibuf [dreg:s7], $0x5FFFF;
	_ =	strace $0x90000049  }
0xb2: {  	s29 =	simm.s32 $0x9;
	_ =	strace $0x8000004B  }
0xb3: {  	_ =	swait.ge [sflag:s29], $0x1  }
0xb4: {  	[sflag:s29] =	ssyncadd.s32 $0xFFFFFFFF  }
0xb5: {  	_ =	strace $0x9000004B  }
0xb6: {  	_ =	sfence  }
0xb7: {  	s30 =	sld [smem:$0x0];
	_ =	sdelay $0x2  }
0xb8: {  	s31 =	sshll.u32 s1, $0xD;
	s1 =	sshrl.u32 s1, $0x2  }
0xb9: {  	s3 =	sand.u32 $0x4000, s31;
	s1 =	sadd.s32 s1, s30  }
0xba: {  	s0 =	sor.u32 s3, s0;
	s1 =	sshll.u32 s1, $0x11  }
0xbb: {  	s0 =	sor.u32 s1, s0  }
0xbc: {  	s0 =	sadd.s32 $0x8F2B, s0  }
0xbd: {  	[sflag:s0] =	ssyncadd.remote.s32 $0x1  }
0xbe: {  	_ =	sfence.sel $0xFFFF  }
0xbf: {  	[dreg:$0x0] =	wrdreg $0xFFFFFFFF;
	(pc) =	sbr.abs _section_cstart, $3  }
0xc0: {  	[dreg:$0x1] =	wrdreg $0xFFFFFFFF  }
0xc1: {  	_ =	task.clear_ibuf [dreg:s7], $0x2FFFF;
	_ =	strace $0x9FFFFFFF  }
0xc2: {  	(tm) =	ssettm $0x7FFFFFFF  }
0xc3: {  	_ =	shalt  }
tec
execute0_lowered:
.L_overlay_start_1:
0x0: {  	(tag) =	ssettag $0x1  }
0x1: {  	s0 =	rddreg [dreg:$0x0]  }
0x2: {  	s1 =	rddreg [dreg:$0x1];
	s2 =	simm.s32 $0x0  }
0x3: {  	s3 =	srdreg.scid;
	s9 =	stileid.u32;
	s12 =	simm.s32 $0x3  }
0x4: {  	s13 =	simm.s32 $0x80;
	s14 =	simm.s32 $0x100;
	s15 =	simm.s32 $0x900  }
0x5: {  	s16 =	simm.s32 $0x1100;
	s17 =	simm.s32 $0x1900;
	s18 =	simm.s32 $0x2100  }
0x6: {  	s19 =	simm.s32 $0x2900;
	s20 =	simm.s32 $0x3100;
	s21 =	simm.s32 $0x3900  }
0x7: {  	s22 =	simm.s32 $0x1;
	s23 =	simm.s32 $0x2;
	s24 =	simm.s32 $0x4100  }
0x8: {  	[smem:$0x7FF] =	sst s2;
	s3 =	sand.u32 $0x1, s3;
	s4 =	sadd.s32 $0x590800, s0  }
0x9: {  	s5 =	sadd.s32 $0x590600, s0;
	s6 =	sadd.s32 $0x190400, s0;
	s7 =	ssub.s32 $0x2, s3  }
0xa: {  	s30 =	sshll.u32 s9, $0x7;
	s9 =	sadd.s32 $0x590A00, s0;
	s8 =	sshrl.u32 s7, $0x1  }
0xb: {  	v0 =	vlaneseq.u32;
	s10 =	sadd.s32 $0x590B00, s0;
	_ =	strace $0x8000004A;
	s11 =	ssub.s32 s7, s8  }
0xc: {  	v1 =	vshrl.u32 v0, $0x3;
	s3 =	sshll.u32 s3, $0x6;
	s7 =	sadd.s32 $0x590900, s0;
	s31 =	smax.u32 s11, $0x1  }
0xd: {  	vm0 =	vmmov $0xffff;
	v0 =	vand.u32 $0x7, v0;
	v1 =	vmul.u32 $0x8, v1;
	s8 =	sor.u32 s3, s30;
	s3 =	simm.s32 $0x0;
	[dreg:$0x3] =	wrdreg s31  }
.LBB2_1:
0xe: {  	[dreg:$0x4] =	wrdreg s3;
	s26 =	simm.s32 $0x0  }
.LBB2_2:
0xf: {  	s0 =	sshll.u32 s26, $0x3  }
0x10: {  	s28 =	sadd.s32 s8, s0  }
0x11: {  	s0 =	sshrl.u32 s28, $0x3  }
0x12: {  	s30 =	simm.s32 $0x0;
	s3 =	sadd.s32 s5, s0  }
0x13: {  	[tilespmem:s30], [sflag:$0x3] =	stream.linear.gather [hbm4b:s3+s30], $0x8, $0x38;
	[tilespmem:$0x6100] =	vst v63  }
0x14: {  	_ =	swait.ge [sflag:s12], $0x8  }
0x15: {  	[sflag:s12] =	ssyncset.done $0x0  }
0x16: {  	s0 =	sadd.s32 s6, s0;
	[sflag:s12] =	ssyncadd.s32 $0xFFFFFFF8  }
0x17: {  	[tilespmem:s13], [sflag:$0x3] =	stream.linear.gather [hbm4b:s0+s30], $0x8, $0x38;
	[tilespmem:$0x6100] =	vst v63  }
0x18: {  	_ =	swait.ge [sflag:s12], $0x8  }
0x19: {  	[sflag:s12] =	ssyncset.done $0x0  }
0x1a: {  	[sflag:s12] =	ssyncadd.s32 $0xFFFFFFF8  }
0x1b: {  	v2 =	vld.msk [tilespmem:$0x0], $0xff;
	_ =	sdelay $0x4  }
0x1c: {  	v3 =	vshll.u32 v2, $0x3  }
0x1d: {  	v2 =	vand.u32 $0x7, v2;
	v3 =	vand.u32 $0xFFFFFFC0, v3  }
0x1e: {  	v2 =	vor.u32 v2, v3  }
0x1f: {  	v2 =	vperm.xlane v2, v0;
	_ =	sdelay $0x1  }
0x20: {  	v2 =	vadd.s32 v1, v2;
	_ =	sdelay $0x4  }
0x21: {  	[tilespmem:s14], [sflag:$0x1] =	stream.indirect_vreg.gather [hbm4b:s4+s30], $0x80, v2, vm0, $0xb8;
	[tilespmem:$0x6100] =	vst v63  }
0x22: {  	_ = 	snop  }
0x23: {  	[tilespmem:s15], [sflag:$0x1] =	stream.indirect_vreg.gather [hbm4b:s7+s30], $0x80, v2, vm0, $0xb8;
	[tilespmem:$0x6100] =	vst v63  }
0x24: {  	_ = 	snop  }
0x25: {  	[tilespmem:s16], [sflag:$0x1] =	stream.indirect_vreg.gather [hbm4b:s9+s30], $0x80, v2, vm0, $0xb8;
	[tilespmem:$0x6100] =	vst v63  }
0x26: {  	_ = 	snop  }
0x27: {  	[tilespmem:s17], [sflag:$0x1] =	stream.indirect_vreg.gather [hbm4b:s10+s30], $0x80, v2, vm0, $0xb8;
	[tilespmem:$0x6100] =	vst v63  }
0x28: {  	v2 =	vld.msk [tilespmem:$0x80], $0xff;
	_ =	sdelay $0x4  }
0x29: {  	v3 =	vshll.u32 v2, $0x3  }
0x2a: {  	v2 =	vand.u32 $0x7, v2;
	v3 =	vand.u32 $0xFFFFFFC0, v3  }
0x2b: {  	v2 =	vor.u32 v2, v3  }
0x2c: {  	v2 =	vperm.xlane v2, v0;
	_ =	sdelay $0x1  }
0x2d: {  	v2 =	vadd.s32 v1, v2;
	_ =	sdelay $0x4  }
0x2e: {  	[tilespmem:s18], [sflag:$0x2] =	stream.indirect_vreg.gather [hbm4b:s4+s30], $0x80, v2, vm0, $0xb8;
	[tilespmem:$0x6100] =	vst v63  }
0x2f: {  	_ = 	snop  }
0x30: {  	[tilespmem:s19], [sflag:$0x2] =	stream.indirect_vreg.gather [hbm4b:s7+s30], $0x80, v2, vm0, $0xb8;
	[tilespmem:$0x6100] =	vst v63  }
0x31: {  	_ = 	snop  }
0x32: {  	[tilespmem:s20], [sflag:$0x2] =	stream.indirect_vreg.gather [hbm4b:s9+s30], $0x80, v2, vm0, $0xb8;
	[tilespmem:$0x6100] =	vst v63  }
0x33: {  	_ = 	snop  }
0x34: {  	[tilespmem:s21], [sflag:$0x2] =	stream.indirect_vreg.gather [hbm4b:s10+s30], $0x80, v2, vm0, $0xb8;
	[tilespmem:$0x6100] =	vst v63  }
0x35: {  	_ =	swait.ge [sflag:s22], $0x2000  }
0x36: {  	[sflag:s22] =	ssyncset.done $0x0  }
0x37: {  	[sflag:s22] =	ssyncadd.s32 $0xFFFFE000  }
0x38: {  	_ =	swait.ge [sflag:s23], $0x2000  }
0x39: {  	s29 =	sand.u32 $0x70, s30;
	s30 =	sand.u32 $0x1C00, s30;
	[sflag:s23] =	ssyncset.done $0x0  }
0x3a: {  	s31 =	sor.u32 s29, s30;
	[sflag:s23] =	ssyncadd.s32 $0xFFFFE000  }
0x3b: {  	v2 =	vld [tilespmem:s31+$0x100]  }
0x3c: {  	v3 =	vld [tilespmem:s31+$0x2100];
	_ =	sdelay $0x1  }
0x3d: {  	s3 =	simm.s32 $0x80;
	s0 =	simm.s32 $0x10  }
.LBB2_3:
0x3e: {  	s11 =	sand.u32 $0x70, s0;
	s25 =	sand.u32 $0x1C00, s3;
	p0 =	sne.s32 s0, $0x3F0  }
.Ltmp0:
0x3f: {  	s0 =	sadd.s32 $0x10, s0;
	s11 =	sor.u32 s11, s25;
	(pc) =	sbr.rel @p0 .LBB2_3-.Ltmp0, $4  }
0x40: {  	v4 =	vadd.f32 v3, v2;
	v2 =	vld [tilespmem:s11+$0x100]  }
0x41: {  	v3 =	vld [tilespmem:s11+$0x2100]  }
0x42: {  	[tilespmem:s31+$0x4100] =	vst v4;
	s31 =	smov.u32 s11  }
0x43: {  	s3 =	sadd.s32 $0x80, s3  }
0x44: {  	_ =	sdelay $0x1  }
0x45: {  	v2 =	vadd.f32 v3, v2;
	_ =	sdelay $0x1  }
0x46: {  	s29 =	sor.u32 s30, s29;
	[tilespmem:s31+$0x4100] =	vst v2  }
0x47: {  	v2 =	vld [tilespmem:s29+$0x180]  }
0x48: {  	v3 =	vld [tilespmem:s29+$0x2180];
	_ =	sdelay $0x1  }
0x49: {  	s0 =	simm.s32 $0x10;
	s3 =	simm.s32 $0x80  }
.LBB2_5:
0x4a: {  	s11 =	sand.u32 $0x70, s0;
	s25 =	sand.u32 $0x1C00, s3;
	p0 =	sne.s32 s0, $0x3F0  }
.Ltmp1:
0x4b: {  	s0 =	sadd.s32 $0x10, s0;
	s11 =	sor.u32 s25, s11;
	(pc) =	sbr.rel @p0 .LBB2_5-.Ltmp1, $4  }
0x4c: {  	v4 =	vadd.f32 v3, v2;
	v2 =	vld [tilespmem:s11+$0x180]  }
0x4d: {  	v3 =	vld [tilespmem:s11+$0x2180]  }
0x4e: {  	[tilespmem:s29+$0x4180] =	vst v4;
	s29 =	smov.u32 s11  }
0x4f: {  	s3 =	sadd.s32 $0x80, s3  }
0x50: {  	_ =	sdelay $0x1  }
0x51: {  	s0 =	simm.s32 $0x0;
	v2 =	vadd.f32 v3, v2  }
0x52: {  	s3 =	sand.u32 $0x70, s0;
	s0 =	sand.u32 $0x1C00, s0  }
0x53: {  	[tilespmem:s29+$0x4180] =	vst v2;
	s29 =	sor.u32 s0, s3  }
0x54: {  	v2 =	vld [tilespmem:s29+$0x200]  }
0x55: {  	v3 =	vld [tilespmem:s29+$0x2200];
	_ =	sdelay $0x1  }
0x56: {  	s30 =	simm.s32 $0x10;
	s31 =	simm.s32 $0x80;
	s0 =	smov.u32 s29  }
.LBB2_7:
0x57: {  	s3 =	sand.u32 $0x70, s30;
	s11 =	sand.u32 $0x1C00, s31;
	p0 =	sne.s32 s30, $0x3F0  }
.Ltmp2:
0x58: {  	s30 =	sadd.s32 $0x10, s30;
	s3 =	sor.u32 s11, s3;
	(pc) =	sbr.rel @p0 .LBB2_7-.Ltmp2, $4  }
0x59: {  	v4 =	vadd.f32 v3, v2;
	v2 =	vld [tilespmem:s3+$0x200]  }
0x5a: {  	v3 =	vld [tilespmem:s3+$0x2200]  }
0x5b: {  	[tilespmem:s0+$0x4200] =	vst v4;
	s0 =	smov.u32 s3  }
0x5c: {  	s31 =	sadd.s32 $0x80, s31  }
0x5d: {  	_ =	sdelay $0x1  }
0x5e: {  	v2 =	vadd.f32 v3, v2;
	_ =	sdelay $0x1  }
0x5f: {  	[tilespmem:s0+$0x4200] =	vst v2  }
0x60: {  	v2 =	vld [tilespmem:s29+$0x280]  }
0x61: {  	v3 =	vld [tilespmem:s29+$0x2280];
	_ =	sdelay $0x1  }
0x62: {  	s3 =	simm.s32 $0x80;
	s0 =	simm.s32 $0x10  }
.LBB2_9:
0x63: {  	s11 =	sand.u32 $0x70, s0;
	s25 =	sand.u32 $0x1C00, s3;
	p0 =	sne.s32 s0, $0x3F0  }
.Ltmp3:
0x64: {  	s0 =	sadd.s32 $0x10, s0;
	s11 =	sor.u32 s25, s11;
	(pc) =	sbr.rel @p0 .LBB2_9-.Ltmp3, $4  }
0x65: {  	v4 =	vadd.f32 v3, v2;
	v2 =	vld [tilespmem:s11+$0x280]  }
0x66: {  	v3 =	vld [tilespmem:s11+$0x2280]  }
0x67: {  	[tilespmem:s29+$0x4280] =	vst v4;
	s29 =	smov.u32 s11  }
0x68: {  	s3 =	sadd.s32 $0x80, s3  }
0x69: {  	_ =	sdelay $0x1  }
0x6a: {  	s0 =	simm.s32 $0x0;
	v2 =	vadd.f32 v3, v2  }
0x6b: {  	s3 =	sand.u32 $0x70, s0;
	s0 =	sand.u32 $0x1C00, s0  }
0x6c: {  	[tilespmem:s29+$0x4280] =	vst v2;
	s29 =	sor.u32 s0, s3  }
0x6d: {  	v2 =	vld [tilespmem:s29+$0x300]  }
0x6e: {  	v3 =	vld [tilespmem:s29+$0x2300];
	_ =	sdelay $0x1  }
0x6f: {  	s30 =	simm.s32 $0x10;
	s31 =	simm.s32 $0x80;
	s0 =	smov.u32 s29  }
.LBB2_11:
0x70: {  	s3 =	sand.u32 $0x70, s30;
	s11 =	sand.u32 $0x1C00, s31;
	p0 =	sne.s32 s30, $0x3F0  }
.Ltmp4:
0x71: {  	s30 =	sadd.s32 $0x10, s30;
	s3 =	sor.u32 s11, s3;
	(pc) =	sbr.rel @p0 .LBB2_11-.Ltmp4, $4  }
0x72: {  	v4 =	vadd.f32 v3, v2;
	v2 =	vld [tilespmem:s3+$0x300]  }
0x73: {  	v3 =	vld [tilespmem:s3+$0x2300]  }
0x74: {  	[tilespmem:s0+$0x4300] =	vst v4;
	s0 =	smov.u32 s3  }
0x75: {  	s31 =	sadd.s32 $0x80, s31  }
0x76: {  	_ =	sdelay $0x1  }
0x77: {  	v2 =	vadd.f32 v3, v2;
	_ =	sdelay $0x1  }
0x78: {  	[tilespmem:s0+$0x4300] =	vst v2  }
0x79: {  	v2 =	vld [tilespmem:s29+$0x380]  }
0x7a: {  	v3 =	vld [tilespmem:s29+$0x2380];
	_ =	sdelay $0x1  }
0x7b: {  	s3 =	simm.s32 $0x80;
	s0 =	simm.s32 $0x10  }
.LBB2_13:
0x7c: {  	s11 =	sand.u32 $0x70, s0;
	s25 =	sand.u32 $0x1C00, s3;
	p0 =	sne.s32 s0, $0x3F0  }
.Ltmp5:
0x7d: {  	s0 =	sadd.s32 $0x10, s0;
	s11 =	sor.u32 s25, s11;
	(pc) =	sbr.rel @p0 .LBB2_13-.Ltmp5, $4  }
0x7e: {  	v4 =	vadd.f32 v3, v2;
	v2 =	vld [tilespmem:s11+$0x380]  }
0x7f: {  	v3 =	vld [tilespmem:s11+$0x2380]  }
0x80: {  	[tilespmem:s29+$0x4380] =	vst v4;
	s29 =	smov.u32 s11  }
0x81: {  	s3 =	sadd.s32 $0x80, s3  }
0x82: {  	_ =	sdelay $0x1  }
0x83: {  	s30 =	simm.s32 $0x0;
	v2 =	vadd.f32 v3, v2  }
0x84: {  	s0 =	sand.u32 $0x70, s30;
	s3 =	sand.u32 $0x1C00, s30  }
0x85: {  	[tilespmem:s29+$0x4380] =	vst v2;
	s29 =	sor.u32 s3, s0  }
0x86: {  	v2 =	vld [tilespmem:s29+$0x400]  }
0x87: {  	v3 =	vld [tilespmem:s29+$0x2400];
	_ =	sdelay $0x1  }
0x88: {  	s0 =	simm.s32 $0x10;
	s3 =	simm.s32 $0x80  }
.LBB2_15:
0x89: {  	s11 =	sand.u32 $0x70, s0;
	s25 =	sand.u32 $0x1C00, s3;
	p0 =	sne.s32 s0, $0x3F0  }
.Ltmp6:
0x8a: {  	s0 =	sadd.s32 $0x10, s0;
	s11 =	sor.u32 s25, s11;
	(pc) =	sbr.rel @p0 .LBB2_15-.Ltmp6, $4  }
0x8b: {  	v4 =	vadd.f32 v3, v2;
	v2 =	vld [tilespmem:s11+$0x400]  }
0x8c: {  	v3 =	vld [tilespmem:s11+$0x2400]  }
0x8d: {  	[tilespmem:s29+$0x4400] =	vst v4;
	s29 =	smov.u32 s11  }
0x8e: {  	s3 =	sadd.s32 $0x80, s3  }
0x8f: {  	_ =	sdelay $0x1  }
0x90: {  	v2 =	vadd.f32 v3, v2  }
0x91: {  	s0 =	sor.u32 s30, s30  }
0x92: {  	[tilespmem:s29+$0x4400] =	vst v2;
	s29 =	sor.u32 $0x380, s0  }
0x93: {  	v2 =	vld [tilespmem:s29+$0x100]  }
0x94: {  	v3 =	vld [tilespmem:s29+$0x2100];
	_ =	sdelay $0x1  }
0x95: {  	s3 =	simm.s32 $0x80;
	s0 =	simm.s32 $0x10  }
.LBB2_17:
0x96: {  	s11 =	sor.u32 s3, s0;
	p0 =	sne.s32 s0, $0x3F0  }
.Ltmp7:
0x97: {  	s0 =	sadd.s32 $0x10, s0;
	s11 =	sor.u32 $0x380, s11;
	(pc) =	sbr.rel @p0 .LBB2_17-.Ltmp7, $4  }
0x98: {  	v4 =	vadd.f32 v3, v2;
	v2 =	vld [tilespmem:s11+$0x100]  }
0x99: {  	v3 =	vld [tilespmem:s11+$0x2100]  }
0x9a: {  	[tilespmem:s29+$0x4100] =	vst v4;
	s29 =	smov.u32 s11  }
0x9b: {  	s3 =	sadd.s32 $0x80, s3  }
0x9c: {  	_ =	sdelay $0x1  }
0x9d: {  	s26 =	sadd.s32 $0x1, s26;
	v2 =	vadd.f32 v3, v2  }
0x9e: {  	s0 =	sshll.u32 s28, $0x7;
	p0 =	sne.s32 s26, $0x8  }
.Ltmp8:
0x9f: {  	s0 =	sadd.s32 s1, s0;
	[tilespmem:s29+$0x4100] =	vst v2;
	(pc) =	sbr.rel @p0 .LBB2_2-.Ltmp8, $4  }
0xa0: {  	[hbm4b:s0+s2] =	stream.linear.scatter [tilespmem:s24], [sflag:$0x3], $0x2000, $0x38;
	[tilespmem:$0x6100] =	vst v63  }
0xa1: {  	_ =	swait.ge [sflag:s12], $0x2000  }
0xa2: {  	[sflag:s12] =	ssyncset.done $0x0  }
0xa3: {  	[sflag:s12] =	ssyncadd.s32 $0xFFFFE000  }
0xa4: {  	s3 =	rddreg [dreg:$0x4]  }
0xa5: {  	s0 =	rddreg [dreg:$0x3];
	s3 =	sadd.s32 $0x1, s3  }
0xa6: {  	p0 =	sne.s32 s3, s0  }
.Ltmp9:
0xa7: {  	_ = 	snop;
	(pc) =	sbr.rel @p0 .LBB2_1-.Ltmp9, $1  }
0xa8: {  	_ =	sdelay $0x3  }
0xa9: {  	_ =	sfence.sel $0x180000  }
0xaa: {  	[bflag:$0x0] =	sbarrier.arrive $0xFFFF  }
0xab: {  	_ =	strace $0x9000004A  }
0xac: {  	s0 =	stileid.u32;
	[bflag:$0x2] =	sbarrier.arrive $0xFFFF  }
0xad: {  	p0 =	sne.s32 s0, $0x0;
	s0 =	rddreg [dreg:$0x2]  }
0xae: {  	s0 =	sadd.s32 @!p0 $0x100000, s0  }
0xaf: {  	[sflag:s0] =	ssyncadd.tile.s32 @!p0 $0x1;
	_ =	shalt  }
.Lfunc_end2:
_tile_overlayer_lowered:
.L_overlay_start_2:
0xb0: {  	(tag) =	ssettag $0x2  }
0xb1: {  	s0 =	rddreg [dreg:$0x0];
	s2 =	stileid.u32  }
0xb2: {  	s1 =	rddreg [dreg:$0x1];
	p0 =	sne.s32 s2, $0x0  }
0xb3: {  	s3 =	rddreg [dreg:$0x2];
	[bflag:$0x3] =	sbarrier.arrive $0xFFFF;
	s2 =	simm.s32 @!p0 $0x1C03  }
0xb4: {  	[timem:s3], [sflag:s2] =	dma.local @!p0 [hbm:s0], s1  }
0xb5: {  	s0 =	simm.s32 @!p0 $0x3  }
0xb6: {  	_ =	swait.ge @!p0 [sflag:s0], s1  }
0xb7: {  	s1 =	ssub.s32 @!p0 $0x0, s1;
	[sflag:s0] =	ssyncset.done @!p0 $0x0  }
0xb8: {  	[sflag:s0] =	ssyncadd.s32 @!p0 s1  }
0xb9: {  	[bflag:$0x3] =	sbarrier.arrive $0xFFFF  }
0xba: {  	_ =	shalt  }

</sc_bundles>
